<compile_context>
chip_gen: v7x
topology: tpu7x:2x2x1
jax: 0.10.2.dev20260603
libtpu: 0.0.44.dev20260713+nightly
codegen_flags: <defaults>
</compile_context>

<pallas_src>
import functools

import jax
import jax.numpy as jnp
from jax import lax
from jax.experimental import pallas as pl
from jax.experimental.pallas import tpu as pltpu
from jax.experimental.pallas import tpu_sc as plsc

N = 10000
D = 128
E = 320000
CHUNK = 128
NW = 32
CPW = (E + NW * CHUNK - 1) // (NW * CHUNK)
EPAD = NW * CPW * CHUNK
SEGN = 10240
OPS = SEGN // 16
TPAD = 16
DW = 16
ZB = 16


def _seg_body(x_hbm, src_hbm, dst_hbm, acc_out, sidx_v, didx_v, rows_v,
              zbuf, acc_s, sem):
  c = lax.axis_index("c")
  s = lax.axis_index("s")
  w = c * 16 + s

  def fill(i, _):
    zero16 = jnp.zeros((16,), jnp.float32)
    for k in range(D // 16):
      zbuf[i, pl.ds(k * 16, 16)] = zero16
    return 0
  lax.fori_loop(0, ZB, fill, 0)

  def zero_blk(t, _):
    pltpu.sync_copy(zbuf, acc_s.at[pl.ds(s * OPS + t * ZB, ZB)])
    return 0
  lax.fori_loop(0, OPS // ZB, zero_blk, 0)
  plsc.subcore_barrier()

  def chunk_body(k, _):
    base = (w * CPW + k) * CHUNK
    pltpu.sync_copy(src_hbm.at[pl.ds(base, CHUNK)], sidx_v)
    pltpu.sync_copy(dst_hbm.at[pl.ds(base, CHUNK)], didx_v)
    pltpu.async_copy(x_hbm.at[sidx_v], rows_v, sem).wait()
    pltpu.sync_copy(rows_v, acc_s.at[didx_v], add=True)
    return 0
  lax.fori_loop(0, CPW, chunk_body, 0)
  plsc.subcore_barrier()

  pltpu.sync_copy(acc_s.at[pl.ds(s * OPS, OPS)],
                  acc_out.at[pl.ds(c * SEGN + s * OPS, OPS)])


def _deg_body(dst_hbm, deg_out, didx_v, ones_v, zbuf, acc_s):
  c = lax.axis_index("c")
  s = lax.axis_index("s")
  w = c * 16 + s

  def fill(i, _):
    for k in range(D // 16):
      zbuf[i, pl.ds(k * 16, 16)] = jnp.zeros((16,), jnp.float32)
    return 0
  lax.fori_loop(0, ZB, fill, 0)

  def fill2(i, _):
    for k in range(D // 16):
      ones_v[i, pl.ds(k * 16, 16)] = jnp.ones((16,), jnp.float32)
    return 0
  lax.fori_loop(0, CHUNK, fill2, 0)

  def zero_blk(t, _):
    pltpu.sync_copy(zbuf, acc_s.at[pl.ds(s * OPS + t * ZB, ZB)])
    return 0
  lax.fori_loop(0, OPS // ZB, zero_blk, 0)
  plsc.subcore_barrier()

  def chunk_body(k, _):
    base = (w * CPW + k) * CHUNK
    pltpu.sync_copy(dst_hbm.at[pl.ds(base, CHUNK)], didx_v)
    pltpu.sync_copy(ones_v, acc_s.at[didx_v], add=True)
    return 0
  lax.fori_loop(0, CPW, chunk_body, 0)
  plsc.subcore_barrier()

  pltpu.sync_copy(acc_s.at[pl.ds(s * OPS, OPS)],
                  deg_out.at[pl.ds(c * SEGN + s * OPS, OPS)])


def _make_deg():
  mesh = plsc.VectorSubcoreMesh(core_axis_name="c", subcore_axis_name="s")
  scratch = [
      pltpu.VMEM((CHUNK,), jnp.int32),
      pltpu.VMEM((CHUNK, D), jnp.float32),
      pltpu.VMEM((ZB, D), jnp.float32),
      pltpu.VMEM_SHARED((SEGN, D), jnp.float32),
  ]
  return pl.kernel(
      _deg_body,
      out_type=jax.ShapeDtypeStruct((2 * SEGN, D), jnp.float32),
      mesh=mesh,
      scratch_types=scratch,
  )


def _make_seg():
  mesh = plsc.VectorSubcoreMesh(core_axis_name="c", subcore_axis_name="s")
  scratch = [
      pltpu.VMEM((CHUNK,), jnp.int32),
      pltpu.VMEM((CHUNK,), jnp.int32),
      pltpu.VMEM((CHUNK, D), jnp.float32),
      pltpu.VMEM((ZB, D), jnp.float32),
      pltpu.VMEM_SHARED((SEGN, D), jnp.float32),
      pltpu.SemaphoreType.DMA,
  ]
  return pl.kernel(
      _seg_body,
      out_type=jax.ShapeDtypeStruct((2 * SEGN, D), jnp.float32),
      mesh=mesh,
      scratch_types=scratch,
  )


def _layer_body(relu, a0, a1, d0, d1, xb, wl, bb, wr, ob):
  deg = d0[...][:, :1] + d1[...][:, :1]
  mean = (a0[...] + a1[...]) / jnp.maximum(deg, 1.0)
  z = (jnp.dot(mean, wl[...], preferred_element_type=jnp.float32,
               precision=lax.Precision.HIGHEST)
       + jnp.dot(xb[...], wr[...], preferred_element_type=jnp.float32,
                 precision=lax.Precision.HIGHEST)
       + bb[...])
  ob[...] = jnp.maximum(z, 0.0) if relu else z


def _layer(acc, deg, x, Wl, b, Wr, relu):
  BN = 1000
  grid = (N // BN,)
  row_spec = pl.BlockSpec((BN, D), lambda i: (i, 0))
  deg_spec = pl.BlockSpec((BN, D), lambda i: (i, 0))
  w_spec = pl.BlockSpec((D, D), lambda i: (0, 0))
  b_spec = pl.BlockSpec((1, D), lambda i: (0, 0))
  return pl.pallas_call(
      functools.partial(_layer_body, relu),
      grid=grid,
      in_specs=[row_spec, row_spec, deg_spec, deg_spec, row_spec,
                w_spec, b_spec, w_spec],
      out_specs=row_spec,
      out_shape=jax.ShapeDtypeStruct((N, D), jnp.float32),
  )(acc[0], acc[1], deg[0], deg[1], x, Wl, b.reshape(1, D), Wr)


_seg = _make_seg()
_deg = _make_deg()


def kernel(x, edge_index, W1l, b1, W1r, W2l, b2, W2r):
  src = edge_index[0].astype(jnp.int32)
  dst = edge_index[1].astype(jnp.int32)
  pad = EPAD - E
  pad_src = N + (jnp.arange(pad, dtype=jnp.int32) % TPAD)
  pad_dst = N + (jnp.arange(pad, dtype=jnp.int32) % (SEGN - N))
  srcp = jnp.concatenate([src, pad_src])
  dstp = jnp.concatenate([dst, pad_dst])

  xp = jnp.concatenate([x, jnp.zeros((TPAD, D), jnp.float32)])
  a1f = _seg(xp, srcp, dstp)
  degf = _deg(dstp)
  acc1 = (a1f[:SEGN], a1f[SEGN:])
  deg = (degf[:SEGN], degf[SEGN:])
  h = _layer(acc1, deg, x, W1l, b1, W1r, relu=True)
  hp = jnp.concatenate([h, jnp.zeros((TPAD, D), jnp.float32)])
  a2f = _seg(hp, srcp, dstp)
  acc2 = (a2f[:SEGN], a2f[SEGN:])
  out = _layer(acc2, deg, h, W2l, b2, W2r, relu=False)
  return out

# --- scband reference (transcript-rebuilt; emitter-appended) ---
"""Pipeline reference for scband-gnn-85856396247479 (READ-ONLY COPY).

The authoritative reference and input builder live on the scoring server;
editing this copy changes nothing except your own understanding.
"""

import jax, jax.numpy as jnp
import numpy as np

N = 10000
E = 320000
D_IN = 128
D_HID = 128
D_OUT = 128


def setup_inputs(seed: int = 0) -> dict:
    key = jax.random.key(seed)
    ks = jax.random.split(key, 9)
    x = jax.random.normal(ks[0], (N, D_IN), dtype=jnp.float32)
    edge_index = jax.random.randint(ks[1], (2, E), 0, N)
    s1 = 1.0 / np.sqrt(D_IN)
    s2 = 1.0 / np.sqrt(D_HID)
    W1l = jax.random.uniform(ks[2], (D_IN, D_HID), dtype=jnp.float32, minval=-s1, maxval=s1)
    b1 = jax.random.uniform(ks[3], (D_HID,), dtype=jnp.float32, minval=-s1, maxval=s1)
    W1r = jax.random.uniform(ks[4], (D_IN, D_HID), dtype=jnp.float32, minval=-s1, maxval=s1)
    W2l = jax.random.uniform(ks[5], (D_HID, D_OUT), dtype=jnp.float32, minval=-s2, maxval=s2)
    b2 = jax.random.uniform(ks[6], (D_OUT,), dtype=jnp.float32, minval=-s2, maxval=s2)
    W2r = jax.random.uniform(ks[7], (D_HID, D_OUT), dtype=jnp.float32, minval=-s2, maxval=s2)
    return {"x": x, "edge_index": edge_index, "W1l": W1l, "b1": b1, "W1r": W1r, "W2l": W2l, "b2": b2, "W2r": W2r}


def _sage_conv(x, edge_index, Wl, b, Wr):
    # PyG SAGEConv with mean aggregation:
    #   out = lin_l(mean_{j in N(i)} x_j) + lin_r(x_i)
    src = edge_index[0]
    dst = edge_index[1]
    n = x.shape[0]
    msgs = jnp.take(x, src, axis=0)                                   # gather (SparseCore)
    agg = jax.ops.segment_sum(msgs, dst, num_segments=n)              # scatter-add
    deg = jax.ops.segment_sum(jnp.ones(src.shape[0], dtype=x.dtype), dst, num_segments=n)
    mean = agg / jnp.clip(deg, 1.0, None)[:, None]
    return mean @ Wl + b + x @ Wr


def reference(x, edge_index, W1l, b1, W1r, W2l, b2, W2r):
    h = jax.nn.relu(_sage_conv(x, edge_index, W1l, b1, W1r))
    # dropout(p=0.2) is identity in eval mode (training=False)
    out = _sage_conv(h, edge_index, W2l, b2, W2r)
    return out

if __name__ == "__main__":
    import jax
    _d = setup_inputs()
    print(jax.jit(kernel)(*tuple(_d.values())))

</pallas_src>

<mosaic_0001>
#map = affine_map<(d0, d1) -> (0, 0)>
#map1 = affine_map<(d0, d1) -> (0)>
module attributes {stable_mosaic.version = 14 : i64} {
  func.func @_seg_body(%arg0: i32, %arg1: i32, %arg2: memref<10016x128xf32, #tpu.memory_space<hbm>>, %arg3: memref<323584xi32, #tpu.memory_space<hbm>>, %arg4: memref<323584xi32, #tpu.memory_space<hbm>>, %arg5: memref<20480x128xf32, #tpu.memory_space<hbm>>, %arg6: memref<128xi32, #tpu.memory_space<vmem>>, %arg7: memref<128xi32, #tpu.memory_space<vmem>>, %arg8: memref<128x128xf32, #tpu.memory_space<vmem>>, %arg9: memref<16x128xf32, #tpu.memory_space<vmem>>, %arg10: memref<10240x128xf32, #tpu.memory_space<vmem_shared>>, %arg11: memref<!tpu.dma_semaphore, #tpu.memory_space<semaphore_mem>>) attributes {dimension_semantics = [#tpu.dimension_semantics<core_parallel>, #tpu.dimension_semantics<subcore_parallel>], iteration_bounds = array<i64: 2, 16>, scalar_prefetch = 0 : i64, scratch_operands = 6 : i64, tpu.core_type = #tpu.core_type<sc_vector_subcore>, window_params = [{transform_indices = #map}, {transform_indices = #map1}, {transform_indices = #map1}, {transform_indices = #map}]} {
    %mul3A = arith.constant 16 : i32
    %mul3A_0 = arith.muli %arg0, %mul3A : i32
    %add3A = arith.addi %mul3A_0, %arg1 : i32
    %scan3A = arith.constant 0 : i32
    %scan3A_1 = arith.constant 0 : i32
    %scan3A_2 = arith.constant 16 : i32
    %scan3A_3 = arith.addi %scan3A_1, %scan3A_2 : i32
    %scan3A_4 = arith.constant 1 : i32
    %scan3A_5 = scf.for %scan3A_29 = %scan3A_1 to %scan3A_3 step %scan3A_4 iter_args(%scan3A_30 = %scan3A) -> (i32)  : i32 {
      %broadcast_in_dim3A = arith.constant 0.000000e+00 : f32
      %broadcast_in_dim3A_31 = vector.broadcast %broadcast_in_dim3A : f32 to vector<16xf32>
      %swap3A = arith.index_cast %scan3A_29 : i32 to index
      %swap3A_32 = arith.constant 0 : index
      %swap3A_33 = tpu.vector_load %arg9[%swap3A, %swap3A_32] {strides = array<i32>} : memref<16x128xf32, #tpu.memory_space<vmem>>, vector<1x16xf32>,
      %swap3A_34 = vector.shape_cast %swap3A_33 : vector<1x16xf32> to vector<16xf32>
      %swap3A_35 = vector.shape_cast %broadcast_in_dim3A_31 : vector<16xf32> to vector<1x16xf32>
      tpu.vector_store %arg9[%swap3A, %swap3A_32], %swap3A_35 {strides = array<i32>} : memref<16x128xf32, #tpu.memory_space<vmem>>, vector<1x16xf32>,
      %swap3A_36 = arith.index_cast %scan3A_29 : i32 to index
      %swap3A_37 = arith.constant 16 : index
      %swap3A_38 = tpu.vector_load %arg9[%swap3A_36, %swap3A_37] {strides = array<i32>} : memref<16x128xf32, #tpu.memory_space<vmem>>, vector<1x16xf32>,
      %swap3A_39 = vector.shape_cast %swap3A_38 : vector<1x16xf32> to vector<16xf32>
      %swap3A_40 = vector.shape_cast %broadcast_in_dim3A_31 : vector<16xf32> to vector<1x16xf32>
      tpu.vector_store %arg9[%swap3A_36, %swap3A_37], %swap3A_40 {strides = array<i32>} : memref<16x128xf32, #tpu.memory_space<vmem>>, vector<1x16xf32>,
      %swap3A_41 = arith.index_cast %scan3A_29 : i32 to index
      %swap3A_42 = arith.constant 32 : index
      %swap3A_43 = tpu.vector_load %arg9[%swap3A_41, %swap3A_42] {strides = array<i32>} : memref<16x128xf32, #tpu.memory_space<vmem>>, vector<1x16xf32>,
      %swap3A_44 = vector.shape_cast %swap3A_43 : vector<1x16xf32> to vector<16xf32>
      %swap3A_45 = vector.shape_cast %broadcast_in_dim3A_31 : vector<16xf32> to vector<1x16xf32>
      tpu.vector_store %arg9[%swap3A_41, %swap3A_42], %swap3A_45 {strides = array<i32>} : memref<16x128xf32, #tpu.memory_space<vmem>>, vector<1x16xf32>,
      %swap3A_46 = arith.index_cast %scan3A_29 : i32 to index
      %swap3A_47 = arith.constant 48 : index
      %swap3A_48 = tpu.vector_load %arg9[%swap3A_46, %swap3A_47] {strides = array<i32>} : memref<16x128xf32, #tpu.memory_space<vmem>>, vector<1x16xf32>,
      %swap3A_49 = vector.shape_cast %swap3A_48 : vector<1x16xf32> to vector<16xf32>
      %swap3A_50 = vector.shape_cast %broadcast_in_dim3A_31 : vector<16xf32> to vector<1x16xf32>
      tpu.vector_store %arg9[%swap3A_46, %swap3A_47], %swap3A_50 {strides = array<i32>} : memref<16x128xf32, #tpu.memory_space<vmem>>, vector<1x16xf32>,
      %swap3A_51 = arith.index_cast %scan3A_29 : i32 to index
      %swap3A_52 = arith.constant 64 : index
      %swap3A_53 = tpu.vector_load %arg9[%swap3A_51, %swap3A_52] {strides = array<i32>} : memref<16x128xf32, #tpu.memory_space<vmem>>, vector<1x16xf32>,
      %swap3A_54 = vector.shape_cast %swap3A_53 : vector<1x16xf32> to vector<16xf32>
      %swap3A_55 = vector.shape_cast %broadcast_in_dim3A_31 : vector<16xf32> to vector<1x16xf32>
      tpu.vector_store %arg9[%swap3A_51, %swap3A_52], %swap3A_55 {strides = array<i32>} : memref<16x128xf32, #tpu.memory_space<vmem>>, vector<1x16xf32>,
      %swap3A_56 = arith.index_cast %scan3A_29 : i32 to index
      %swap3A_57 = arith.constant 80 : index
      %swap3A_58 = tpu.vector_load %arg9[%swap3A_56, %swap3A_57] {strides = array<i32>} : memref<16x128xf32, #tpu.memory_space<vmem>>, vector<1x16xf32>,
      %swap3A_59 = vector.shape_cast %swap3A_58 : vector<1x16xf32> to vector<16xf32>
      %swap3A_60 = vector.shape_cast %broadcast_in_dim3A_31 : vector<16xf32> to vector<1x16xf32>
      tpu.vector_store %arg9[%swap3A_56, %swap3A_57], %swap3A_60 {strides = array<i32>} : memref<16x128xf32, #tpu.memory_space<vmem>>, vector<1x16xf32>,
      %swap3A_61 = arith.index_cast %scan3A_29 : i32 to index
      %swap3A_62 = arith.constant 96 : index
      %swap3A_63 = tpu.vector_load %arg9[%swap3A_61, %swap3A_62] {strides = array<i32>} : memref<16x128xf32, #tpu.memory_space<vmem>>, vector<1x16xf32>,
      %swap3A_64 = vector.shape_cast %swap3A_63 : vector<1x16xf32> to vector<16xf32>
      %swap3A_65 = vector.shape_cast %broadcast_in_dim3A_31 : vector<16xf32> to vector<1x16xf32>
      tpu.vector_store %arg9[%swap3A_61, %swap3A_62], %swap3A_65 {strides = array<i32>} : memref<16x128xf32, #tpu.memory_space<vmem>>, vector<1x16xf32>,
      %swap3A_66 = arith.index_cast %scan3A_29 : i32 to index
      %swap3A_67 = arith.constant 112 : index
      %swap3A_68 = tpu.vector_load %arg9[%swap3A_66, %swap3A_67] {strides = array<i32>} : memref<16x128xf32, #tpu.memory_space<vmem>>, vector<1x16xf32>,
      %swap3A_69 = vector.shape_cast %swap3A_68 : vector<1x16xf32> to vector<16xf32>
      %swap3A_70 = vector.shape_cast %broadcast_in_dim3A_31 : vector<16xf32> to vector<1x16xf32>
      tpu.vector_store %arg9[%swap3A_66, %swap3A_67], %swap3A_70 {strides = array<i32>} : memref<16x128xf32, #tpu.memory_space<vmem>>, vector<1x16xf32>,
      %scan3A_71 = arith.constant 0 : i32
      scf.yield %scan3A_71 : i32
    }
    %scan3A_6 = arith.constant 16 : i32
    %scan3A_7 = arith.constant 0 : i32
    %scan3A_8 = arith.constant 0 : i32
    %scan3A_9 = arith.constant 40 : i32
    %scan3A_10 = arith.addi %scan3A_8, %scan3A_9 : i32
    %scan3A_11 = arith.constant 1 : i32
    %scan3A_12 = scf.for %scan3A_29 = %scan3A_8 to %scan3A_10 step %scan3A_11 iter_args(%scan3A_30 = %scan3A_7) -> (i32)  : i32 {
      %mul3A_31 = arith.constant 640 : i32
      %mul3A_32 = arith.muli %arg1, %mul3A_31 : i32
      %mul3A_33 = arith.constant 16 : i32
      %mul3A_34 = arith.muli %scan3A_29, %mul3A_33 : i32
      %add3A_35 = arith.addi %mul3A_32, %mul3A_34 : i32
      "tpu.region"() ({
        %run_scoped3A = tpu.sem_alloc : memref<!tpu.dma_semaphore, #tpu.memory_space<semaphore_mem>>
        %dma_start3A = arith.constant 0 : i32
        %dma_start3A_37 = tpu.memref_slice %arg10[%add3A_35, %dma_start3A] : memref<10240x128xf32, #tpu.memory_space<vmem_shared>> -> memref<16x128xf32, #tpu.memory_space<vmem_shared>>
        %dma_start3A_38 = arith.constant 0 : i32
        %dma_start3A_39 = tpu.memref_slice %arg10[%add3A_35, %dma_start3A_38] : memref<10240x128xf32, #tpu.memory_space<vmem_shared>> -> memref<16x128xf32, #tpu.memory_space<vmem_shared>>
        tpu.enqueue_dma source(%arg9 : memref<16x128xf32, #tpu.memory_space<vmem>>) target(%dma_start3A_39 : memref<16x128xf32, #tpu.memory_space<vmem_shared>>) target_semaphore(%run_scoped3A : memref<!tpu.dma_semaphore, #tpu.memory_space<semaphore_mem>>)
        %dma_wait3A = arith.constant 0 : i32
        %dma_wait3A_40 = tpu.memref_slice %arg10[%add3A_35, %dma_wait3A] : memref<10240x128xf32, #tpu.memory_space<vmem_shared>> -> memref<16x128xf32, #tpu.memory_space<vmem_shared>>
        %dma_wait3A_41 = arith.constant 0 : i32
        %dma_wait3A_42 = tpu.memref_slice %arg10[%add3A_35, %dma_wait3A_41] : memref<10240x128xf32, #tpu.memory_space<vmem_shared>> -> memref<16x128xf32, #tpu.memory_space<vmem_shared>>
        tpu.wait_dma2 semaphore(%run_scoped3A : memref<!tpu.dma_semaphore, #tpu.memory_space<semaphore_mem>>) src(%arg9 : memref<16x128xf32, #tpu.memory_space<vmem>>) dst(%dma_wait3A_42 : memref<16x128xf32, #tpu.memory_space<vmem_shared>>)
        tpu.yield
      }) : () -> ()
      %scan3A_36 = arith.constant 0 : i32
      scf.yield %scan3A_36 : i32
    }
    %scan3A_13 = arith.constant 40 : i32
    %barrier3A = arith.constant 0 : index
    tpu.barrier barrier_id(%barrier3A)
    %scan3A_14 = arith.constant 0 : i32
    %scan3A_15 = arith.constant 0 : i32
    %scan3A_16 = arith.constant 79 : i32
    %scan3A_17 = arith.addi %scan3A_15, %scan3A_16 : i32
    %scan3A_18 = arith.constant 1 : i32
    %scan3A_19 = scf.for %scan3A_29 = %scan3A_15 to %scan3A_17 step %scan3A_18 iter_args(%scan3A_30 = %scan3A_14) -> (i32)  : i32 {
      %mul3A_31 = arith.constant 79 : i32
      %mul3A_32 = arith.muli %add3A, %mul3A_31 : i32
      %add3A_33 = arith.addi %mul3A_32, %scan3A_29 : i32
      %mul3A_34 = arith.constant 128 : i32
      %mul3A_35 = arith.muli %add3A_33, %mul3A_34 : i32
      "tpu.region"() ({
        %run_scoped3A = tpu.sem_alloc : memref<!tpu.dma_semaphore, #tpu.memory_space<semaphore_mem>>
        %dma_start3A_41 = tpu.memref_slice %arg3[%mul3A_35] : memref<323584xi32, #tpu.memory_space<hbm>> -> memref<128xi32, #tpu.memory_space<hbm>>
        %dma_start3A_42 = tpu.memref_slice %arg3[%mul3A_35] : memref<323584xi32, #tpu.memory_space<hbm>> -> memref<128xi32, #tpu.memory_space<hbm>>
        tpu.enqueue_dma source(%dma_start3A_42 : memref<128xi32, #tpu.memory_space<hbm>>) target(%arg6 : memref<128xi32, #tpu.memory_space<vmem>>) target_semaphore(%run_scoped3A : memref<!tpu.dma_semaphore, #tpu.memory_space<semaphore_mem>>)
        %dma_wait3A_43 = tpu.memref_slice %arg3[%mul3A_35] : memref<323584xi32, #tpu.memory_space<hbm>> -> memref<128xi32, #tpu.memory_space<hbm>>
        %dma_wait3A_44 = tpu.memref_slice %arg3[%mul3A_35] : memref<323584xi32, #tpu.memory_space<hbm>> -> memref<128xi32, #tpu.memory_space<hbm>>
        tpu.wait_dma2 semaphore(%run_scoped3A : memref<!tpu.dma_semaphore, #tpu.memory_space<semaphore_mem>>) src(%dma_wait3A_44 : memref<128xi32, #tpu.memory_space<hbm>>) dst(%arg6 : memref<128xi32, #tpu.memory_space<vmem>>)
        tpu.yield
      }) : () -> ()
      "tpu.region"() ({
        %run_scoped3A = tpu.sem_alloc : memref<!tpu.dma_semaphore, #tpu.memory_space<semaphore_mem>>
        %dma_start3A_41 = tpu.memref_slice %arg4[%mul3A_35] : memref<323584xi32, #tpu.memory_space<hbm>> -> memref<128xi32, #tpu.memory_space<hbm>>
        %dma_start3A_42 = tpu.memref_slice %arg4[%mul3A_35] : memref<323584xi32, #tpu.memory_space<hbm>> -> memref<128xi32, #tpu.memory_space<hbm>>
        tpu.enqueue_dma source(%dma_start3A_42 : memref<128xi32, #tpu.memory_space<hbm>>) target(%arg7 : memref<128xi32, #tpu.memory_space<vmem>>) target_semaphore(%run_scoped3A : memref<!tpu.dma_semaphore, #tpu.memory_space<semaphore_mem>>)
        %dma_wait3A_43 = tpu.memref_slice %arg4[%mul3A_35] : memref<323584xi32, #tpu.memory_space<hbm>> -> memref<128xi32, #tpu.memory_space<hbm>>
        %dma_wait3A_44 = tpu.memref_slice %arg4[%mul3A_35] : memref<323584xi32, #tpu.memory_space<hbm>> -> memref<128xi32, #tpu.memory_space<hbm>>
        tpu.wait_dma2 semaphore(%run_scoped3A : memref<!tpu.dma_semaphore, #tpu.memory_space<semaphore_mem>>) src(%dma_wait3A_44 : memref<128xi32, #tpu.memory_space<hbm>>) dst(%arg7 : memref<128xi32, #tpu.memory_space<vmem>>)
        tpu.yield
      }) : () -> ()
      %dma_start3A = arith.constant 0 : i32
      %dma_start3A_36 = arith.constant 0 : i32
      %dma_start3A_37 = tpu.memref_slice %arg2[%dma_start3A, %dma_start3A_36] : memref<10016x128xf32, #tpu.memory_space<hbm>> -> memref<10016x128xf32, #tpu.memory_space<hbm>>
      tpu.enqueue_indirect_dma source(%dma_start3A_37 : memref<10016x128xf32, #tpu.memory_space<hbm>>) target(%arg8 : memref<128x128xf32, #tpu.memory_space<vmem>>) offsets(%arg6 : memref<128xi32, #tpu.memory_space<vmem>>) semaphore(%arg11 : memref<!tpu.dma_semaphore, #tpu.memory_space<semaphore_mem>>)
      %dma_wait3A = arith.constant 0 : i32
      %dma_wait3A_38 = arith.constant 0 : i32
      %dma_wait3A_39 = tpu.memref_slice %arg2[%dma_wait3A, %dma_wait3A_38] : memref<10016x128xf32, #tpu.memory_space<hbm>> -> memref<10016x128xf32, #tpu.memory_space<hbm>>
      tpu.wait_indirect_dma semaphore(%arg11 : memref<!tpu.dma_semaphore, #tpu.memory_space<semaphore_mem>>) src(%dma_wait3A_39 : memref<10016x128xf32, #tpu.memory_space<hbm>>) dst(%arg8 : memref<128x128xf32, #tpu.memory_space<vmem>>)
      "tpu.region"() ({
        %run_scoped3A = tpu.sem_alloc : memref<!tpu.dma_semaphore, #tpu.memory_space<semaphore_mem>>
        %dma_start3A_41 = arith.constant 0 : i32
        %dma_start3A_42 = arith.constant 0 : i32
        %dma_start3A_43 = tpu.memref_slice %arg10[%dma_start3A_41, %dma_start3A_42] : memref<10240x128xf32, #tpu.memory_space<vmem_shared>> -> memref<10240x128xf32, #tpu.memory_space<vmem_shared>>
        tpu.enqueue_indirect_dma source(%arg8 : memref<128x128xf32, #tpu.memory_space<vmem>>) target(%dma_start3A_43 : memref<10240x128xf32, #tpu.memory_space<vmem_shared>>) offsets(%arg7 : memref<128xi32, #tpu.memory_space<vmem>>) semaphore(%run_scoped3A : memref<!tpu.dma_semaphore, #tpu.memory_space<semaphore_mem>>) {add = true}
        %dma_wait3A_44 = arith.constant 0 : i32
        %dma_wait3A_45 = arith.constant 0 : i32
        %dma_wait3A_46 = tpu.memref_slice %arg10[%dma_wait3A_44, %dma_wait3A_45] : memref<10240x128xf32, #tpu.memory_space<vmem_shared>> -> memref<10240x128xf32, #tpu.memory_space<vmem_shared>>
        tpu.wait_indirect_dma semaphore(%run_scoped3A : memref<!tpu.dma_semaphore, #tpu.memory_space<semaphore_mem>>) src(%arg8 : memref<128x128xf32, #tpu.memory_space<vmem>>) dst(%dma_wait3A_46 : memref<10240x128xf32, #tpu.memory_space<vmem_shared>>)
        tpu.yield
      }) : () -> ()
      %scan3A_40 = arith.constant 0 : i32
      scf.yield %scan3A_40 : i32
    }
    %scan3A_20 = arith.constant 79 : i32
    %barrier3A_21 = arith.constant 0 : index
    tpu.barrier barrier_id(%barrier3A_21)
    %mul3A_22 = arith.constant 640 : i32
    %mul3A_23 = arith.muli %arg1, %mul3A_22 : i32
    %mul3A_24 = arith.constant 10240 : i32
    %mul3A_25 = arith.muli %arg0, %mul3A_24 : i32
    %mul3A_26 = arith.constant 640 : i32
    %mul3A_27 = arith.muli %arg1, %mul3A_26 : i32
    %add3A_28 = arith.addi %mul3A_25, %mul3A_27 : i32
    "tpu.region"() ({
      %run_scoped3A = tpu.sem_alloc : memref<!tpu.dma_semaphore, #tpu.memory_space<semaphore_mem>>
      %dma_start3A = arith.constant 0 : i32
      %dma_start3A_29 = tpu.memref_slice %arg5[%add3A_28, %dma_start3A] : memref<20480x128xf32, #tpu.memory_space<hbm>> -> memref<640x128xf32, #tpu.memory_space<hbm>>
      %dma_start3A_30 = arith.constant 0 : i32
      %dma_start3A_31 = tpu.memref_slice %arg10[%mul3A_23, %dma_start3A_30] : memref<10240x128xf32, #tpu.memory_space<vmem_shared>> -> memref<640x128xf32, #tpu.memory_space<vmem_shared>>
      tpu.enqueue_dma source(%dma_start3A_31 : memref<640x128xf32, #tpu.memory_space<vmem_shared>>) target(%dma_start3A_29 : memref<640x128xf32, #tpu.memory_space<hbm>>) target_semaphore(%run_scoped3A : memref<!tpu.dma_semaphore, #tpu.memory_space<semaphore_mem>>)
      %dma_wait3A = arith.constant 0 : i32
      %dma_wait3A_32 = tpu.memref_slice %arg5[%add3A_28, %dma_wait3A] : memref<20480x128xf32, #tpu.memory_space<hbm>> -> memref<640x128xf32, #tpu.memory_space<hbm>>
      %dma_wait3A_33 = arith.constant 0 : i32
      %dma_wait3A_34 = tpu.memref_slice %arg10[%mul3A_23, %dma_wait3A_33] : memref<10240x128xf32, #tpu.memory_space<vmem_shared>> -> memref<640x128xf32, #tpu.memory_space<vmem_shared>>
      tpu.wait_dma2 semaphore(%run_scoped3A : memref<!tpu.dma_semaphore, #tpu.memory_space<semaphore_mem>>) src(%dma_wait3A_34 : memref<640x128xf32, #tpu.memory_space<vmem_shared>>) dst(%dma_wait3A_32 : memref<640x128xf32, #tpu.memory_space<hbm>>)
      tpu.yield
    }) : () -> ()
    return
  }
}

#map = affine_map<(d0, d1) -> (0, 0)>
#map1 = affine_map<(d0, d1) -> (0)>
module attributes {stable_mosaic.version = 14 : i64} {
  func.func @_seg_body(%arg0: i32, %arg1: i32, %arg2: memref<10016x128xf32, #tpu.memory_space<hbm>>, %arg3: memref<323584xi32, #tpu.memory_space<hbm>>, %arg4: memref<323584xi32, #tpu.memory_space<hbm>>, %arg5: memref<20480x128xf32, #tpu.memory_space<hbm>>, %arg6: memref<128xi32, #tpu.memory_space<vmem>>, %arg7: memref<128xi32, #tpu.memory_space<vmem>>, %arg8: memref<128x128xf32, #tpu.memory_space<vmem>>, %arg9: memref<16x128xf32, #tpu.memory_space<vmem>>, %arg10: memref<10240x128xf32, #tpu.memory_space<vmem_shared>>, %arg11: memref<!tpu.dma_semaphore, #tpu.memory_space<semaphore_mem>>) attributes {dimension_semantics = [#tpu.dimension_semantics<core_parallel>, #tpu.dimension_semantics<subcore_parallel>], iteration_bounds = array<i64: 2, 16>, scalar_prefetch = 0 : i64, scratch_operands = 6 : i64, tpu.core_type = #tpu.core_type<sc_vector_subcore>, window_params = [{transform_indices = #map}, {transform_indices = #map1}, {transform_indices = #map1}, {transform_indices = #map}]} {
    %mul3A = arith.constant 16 : i32
    %mul3A_0 = arith.muli %arg0, %mul3A : i32
    %add3A = arith.addi %mul3A_0, %arg1 : i32
    %scan3A = arith.constant 0 : i32
    %scan3A_1 = arith.constant 0 : i32
    %scan3A_2 = arith.constant 16 : i32
    %scan3A_3 = arith.addi %scan3A_1, %scan3A_2 : i32
    %scan3A_4 = arith.constant 1 : i32
    %scan3A_5 = scf.for %scan3A_29 = %scan3A_1 to %scan3A_3 step %scan3A_4 iter_args(%scan3A_30 = %scan3A) -> (i32)  : i32 {
      %broadcast_in_dim3A = arith.constant 0.000000e+00 : f32
      %broadcast_in_dim3A_31 = vector.broadcast %broadcast_in_dim3A : f32 to vector<16xf32>
      %swap3A = arith.index_cast %scan3A_29 : i32 to index
      %swap3A_32 = arith.constant 0 : index
      %swap3A_33 = tpu.vector_load %arg9[%swap3A, %swap3A_32] {strides = array<i32>} : memref<16x128xf32, #tpu.memory_space<vmem>>, vector<1x16xf32>,
      %swap3A_34 = vector.shape_cast %swap3A_33 : vector<1x16xf32> to vector<16xf32>
      %swap3A_35 = vector.shape_cast %broadcast_in_dim3A_31 : vector<16xf32> to vector<1x16xf32>
      tpu.vector_store %arg9[%swap3A, %swap3A_32], %swap3A_35 {strides = array<i32>} : memref<16x128xf32, #tpu.memory_space<vmem>>, vector<1x16xf32>,
      %swap3A_36 = arith.index_cast %scan3A_29 : i32 to index
      %swap3A_37 = arith.constant 16 : index
      %swap3A_38 = tpu.vector_load %arg9[%swap3A_36, %swap3A_37] {strides = array<i32>} : memref<16x128xf32, #tpu.memory_space<vmem>>, vector<1x16xf32>,
      %swap3A_39 = vector.shape_cast %swap3A_38 : vector<1x16xf32> to vector<16xf32>
      %swap3A_40 = vector.shape_cast %broadcast_in_dim3A_31 : vector<16xf32> to vector<1x16xf32>
      tpu.vector_store %arg9[%swap3A_36, %swap3A_37], %swap3A_40 {strides = array<i32>} : memref<16x128xf32, #tpu.memory_space<vmem>>, vector<1x16xf32>,
      %swap3A_41 = arith.index_cast %scan3A_29 : i32 to index
      %swap3A_42 = arith.constant 32 : index
      %swap3A_43 = tpu.vector_load %arg9[%swap3A_41, %swap3A_42] {strides = array<i32>} : memref<16x128xf32, #tpu.memory_space<vmem>>, vector<1x16xf32>,
      %swap3A_44 = vector.shape_cast %swap3A_43 : vector<1x16xf32> to vector<16xf32>
      %swap3A_45 = vector.shape_cast %broadcast_in_dim3A_31 : vector<16xf32> to vector<1x16xf32>
      tpu.vector_store %arg9[%swap3A_41, %swap3A_42], %swap3A_45 {strides = array<i32>} : memref<16x128xf32, #tpu.memory_space<vmem>>, vector<1x16xf32>,
      %swap3A_46 = arith.index_cast %scan3A_29 : i32 to index
      %swap3A_47 = arith.constant 48 : index
      %swap3A_48 = tpu.vector_load %arg9[%swap3A_46, %swap3A_47] {strides = array<i32>} : memref<16x128xf32, #tpu.memory_space<vmem>>, vector<1x16xf32>,
      %swap3A_49 = vector.shape_cast %swap3A_48 : vector<1x16xf32> to vector<16xf32>
      %swap3A_50 = vector.shape_cast %broadcast_in_dim3A_31 : vector<16xf32> to vector<1x16xf32>
      tpu.vector_store %arg9[%swap3A_46, %swap3A_47], %swap3A_50 {strides = array<i32>} : memref<16x128xf32, #tpu.memory_space<vmem>>, vector<1x16xf32>,
      %swap3A_51 = arith.index_cast %scan3A_29 : i32 to index
      %swap3A_52 = arith.constant 64 : index
      %swap3A_53 = tpu.vector_load %arg9[%swap3A_51, %swap3A_52] {strides = array<i32>} : memref<16x128xf32, #tpu.memory_space<vmem>>, vector<1x16xf32>,
      %swap3A_54 = vector.shape_cast %swap3A_53 : vector<1x16xf32> to vector<16xf32>
      %swap3A_55 = vector.shape_cast %broadcast_in_dim3A_31 : vector<16xf32> to vector<1x16xf32>
      tpu.vector_store %arg9[%swap3A_51, %swap3A_52], %swap3A_55 {strides = array<i32>} : memref<16x128xf32, #tpu.memory_space<vmem>>, vector<1x16xf32>,
      %swap3A_56 = arith.index_cast %scan3A_29 : i32 to index
      %swap3A_57 = arith.constant 80 : index
      %swap3A_58 = tpu.vector_load %arg9[%swap3A_56, %swap3A_57] {strides = array<i32>} : memref<16x128xf32, #tpu.memory_space<vmem>>, vector<1x16xf32>,
      %swap3A_59 = vector.shape_cast %swap3A_58 : vector<1x16xf32> to vector<16xf32>
      %swap3A_60 = vector.shape_cast %broadcast_in_dim3A_31 : vector<16xf32> to vector<1x16xf32>
      tpu.vector_store %arg9[%swap3A_56, %swap3A_57], %swap3A_60 {strides = array<i32>} : memref<16x128xf32, #tpu.memory_space<vmem>>, vector<1x16xf32>,
      %swap3A_61 = arith.index_cast %scan3A_29 : i32 to index
      %swap3A_62 = arith.constant 96 : index
      %swap3A_63 = tpu.vector_load %arg9[%swap3A_61, %swap3A_62] {strides = array<i32>} : memref<16x128xf32, #tpu.memory_space<vmem>>, vector<1x16xf32>,
      %swap3A_64 = vector.shape_cast %swap3A_63 : vector<1x16xf32> to vector<16xf32>
      %swap3A_65 = vector.shape_cast %broadcast_in_dim3A_31 : vector<16xf32> to vector<1x16xf32>
      tpu.vector_store %arg9[%swap3A_61, %swap3A_62], %swap3A_65 {strides = array<i32>} : memref<16x128xf32, #tpu.memory_space<vmem>>, vector<1x16xf32>,
      %swap3A_66 = arith.index_cast %scan3A_29 : i32 to index
      %swap3A_67 = arith.constant 112 : index
      %swap3A_68 = tpu.vector_load %arg9[%swap3A_66, %swap3A_67] {strides = array<i32>} : memref<16x128xf32, #tpu.memory_space<vmem>>, vector<1x16xf32>,
      %swap3A_69 = vector.shape_cast %swap3A_68 : vector<1x16xf32> to vector<16xf32>
      %swap3A_70 = vector.shape_cast %broadcast_in_dim3A_31 : vector<16xf32> to vector<1x16xf32>
      tpu.vector_store %arg9[%swap3A_66, %swap3A_67], %swap3A_70 {strides = array<i32>} : memref<16x128xf32, #tpu.memory_space<vmem>>, vector<1x16xf32>,
      %scan3A_71 = arith.constant 0 : i32
      scf.yield %scan3A_71 : i32
    }
    %scan3A_6 = arith.constant 16 : i32
    %scan3A_7 = arith.constant 0 : i32
    %scan3A_8 = arith.constant 0 : i32
    %scan3A_9 = arith.constant 40 : i32
    %scan3A_10 = arith.addi %scan3A_8, %scan3A_9 : i32
    %scan3A_11 = arith.constant 1 : i32
    %scan3A_12 = scf.for %scan3A_29 = %scan3A_8 to %scan3A_10 step %scan3A_11 iter_args(%scan3A_30 = %scan3A_7) -> (i32)  : i32 {
      %mul3A_31 = arith.constant 640 : i32
      %mul3A_32 = arith.muli %arg1, %mul3A_31 : i32
      %mul3A_33 = arith.constant 16 : i32
      %mul3A_34 = arith.muli %scan3A_29, %mul3A_33 : i32
      %add3A_35 = arith.addi %mul3A_32, %mul3A_34 : i32
      "tpu.region"() ({
        %run_scoped3A = tpu.sem_alloc : memref<!tpu.dma_semaphore, #tpu.memory_space<semaphore_mem>>
        %dma_start3A = arith.constant 0 : i32
        %dma_start3A_37 = tpu.memref_slice %arg10[%add3A_35, %dma_start3A] : memref<10240x128xf32, #tpu.memory_space<vmem_shared>> -> memref<16x128xf32, #tpu.memory_space<vmem_shared>>
        %dma_start3A_38 = arith.constant 0 : i32
        %dma_start3A_39 = tpu.memref_slice %arg10[%add3A_35, %dma_start3A_38] : memref<10240x128xf32, #tpu.memory_space<vmem_shared>> -> memref<16x128xf32, #tpu.memory_space<vmem_shared>>
        tpu.enqueue_dma source(%arg9 : memref<16x128xf32, #tpu.memory_space<vmem>>) target(%dma_start3A_39 : memref<16x128xf32, #tpu.memory_space<vmem_shared>>) target_semaphore(%run_scoped3A : memref<!tpu.dma_semaphore, #tpu.memory_space<semaphore_mem>>)
        %dma_wait3A = arith.constant 0 : i32
        %dma_wait3A_40 = tpu.memref_slice %arg10[%add3A_35, %dma_wait3A] : memref<10240x128xf32, #tpu.memory_space<vmem_shared>> -> memref<16x128xf32, #tpu.memory_space<vmem_shared>>
        %dma_wait3A_41 = arith.constant 0 : i32
        %dma_wait3A_42 = tpu.memref_slice %arg10[%add3A_35, %dma_wait3A_41] : memref<10240x128xf32, #tpu.memory_space<vmem_shared>> -> memref<16x128xf32, #tpu.memory_space<vmem_shared>>
        tpu.wait_dma2 semaphore(%run_scoped3A : memref<!tpu.dma_semaphore, #tpu.memory_space<semaphore_mem>>) src(%arg9 : memref<16x128xf32, #tpu.memory_space<vmem>>) dst(%dma_wait3A_42 : memref<16x128xf32, #tpu.memory_space<vmem_shared>>)
        tpu.yield
      }) : () -> ()
      %scan3A_36 = arith.constant 0 : i32
      scf.yield %scan3A_36 : i32
    }
    %scan3A_13 = arith.constant 40 : i32
    %barrier3A = arith.constant 0 : index
    tpu.barrier barrier_id(%barrier3A)
    %scan3A_14 = arith.constant 0 : i32
    %scan3A_15 = arith.constant 0 : i32
    %scan3A_16 = arith.constant 79 : i32
    %scan3A_17 = arith.addi %scan3A_15, %scan3A_16 : i32
    %scan3A_18 = arith.constant 1 : i32
    %scan3A_19 = scf.for %scan3A_29 = %scan3A_15 to %scan3A_17 step %scan3A_18 iter_args(%scan3A_30 = %scan3A_14) -> (i32)  : i32 {
      %mul3A_31 = arith.constant 79 : i32
      %mul3A_32 = arith.muli %add3A, %mul3A_31 : i32
      %add3A_33 = arith.addi %mul3A_32, %scan3A_29 : i32
      %mul3A_34 = arith.constant 128 : i32
      %mul3A_35 = arith.muli %add3A_33, %mul3A_34 : i32
      "tpu.region"() ({
        %run_scoped3A = tpu.sem_alloc : memref<!tpu.dma_semaphore, #tpu.memory_space<semaphore_mem>>
        %dma_start3A_41 = tpu.memref_slice %arg3[%mul3A_35] : memref<323584xi32, #tpu.memory_space<hbm>> -> memref<128xi32, #tpu.memory_space<hbm>>
        %dma_start3A_42 = tpu.memref_slice %arg3[%mul3A_35] : memref<323584xi32, #tpu.memory_space<hbm>> -> memref<128xi32, #tpu.memory_space<hbm>>
        tpu.enqueue_dma source(%dma_start3A_42 : memref<128xi32, #tpu.memory_space<hbm>>) target(%arg6 : memref<128xi32, #tpu.memory_space<vmem>>) target_semaphore(%run_scoped3A : memref<!tpu.dma_semaphore, #tpu.memory_space<semaphore_mem>>)
        %dma_wait3A_43 = tpu.memref_slice %arg3[%mul3A_35] : memref<323584xi32, #tpu.memory_space<hbm>> -> memref<128xi32, #tpu.memory_space<hbm>>
        %dma_wait3A_44 = tpu.memref_slice %arg3[%mul3A_35] : memref<323584xi32, #tpu.memory_space<hbm>> -> memref<128xi32, #tpu.memory_space<hbm>>
        tpu.wait_dma2 semaphore(%run_scoped3A : memref<!tpu.dma_semaphore, #tpu.memory_space<semaphore_mem>>) src(%dma_wait3A_44 : memref<128xi32, #tpu.memory_space<hbm>>) dst(%arg6 : memref<128xi32, #tpu.memory_space<vmem>>)
        tpu.yield
      }) : () -> ()
      "tpu.region"() ({
        %run_scoped3A = tpu.sem_alloc : memref<!tpu.dma_semaphore, #tpu.memory_space<semaphore_mem>>
        %dma_start3A_41 = tpu.memref_slice %arg4[%mul3A_35] : memref<323584xi32, #tpu.memory_space<hbm>> -> memref<128xi32, #tpu.memory_space<hbm>>
        %dma_start3A_42 = tpu.memref_slice %arg4[%mul3A_35] : memref<323584xi32, #tpu.memory_space<hbm>> -> memref<128xi32, #tpu.memory_space<hbm>>
        tpu.enqueue_dma source(%dma_start3A_42 : memref<128xi32, #tpu.memory_space<hbm>>) target(%arg7 : memref<128xi32, #tpu.memory_space<vmem>>) target_semaphore(%run_scoped3A : memref<!tpu.dma_semaphore, #tpu.memory_space<semaphore_mem>>)
        %dma_wait3A_43 = tpu.memref_slice %arg4[%mul3A_35] : memref<323584xi32, #tpu.memory_space<hbm>> -> memref<128xi32, #tpu.memory_space<hbm>>
        %dma_wait3A_44 = tpu.memref_slice %arg4[%mul3A_35] : memref<323584xi32, #tpu.memory_space<hbm>> -> memref<128xi32, #tpu.memory_space<hbm>>
        tpu.wait_dma2 semaphore(%run_scoped3A : memref<!tpu.dma_semaphore, #tpu.memory_space<semaphore_mem>>) src(%dma_wait3A_44 : memref<128xi32, #tpu.memory_space<hbm>>) dst(%arg7 : memref<128xi32, #tpu.memory_space<vmem>>)
        tpu.yield
      }) : () -> ()
      %dma_start3A = arith.constant 0 : i32
      %dma_start3A_36 = arith.constant 0 : i32
      %dma_start3A_37 = tpu.memref_slice %arg2[%dma_start3A, %dma_start3A_36] : memref<10016x128xf32, #tpu.memory_space<hbm>> -> memref<10016x128xf32, #tpu.memory_space<hbm>>
      tpu.enqueue_indirect_dma source(%dma_start3A_37 : memref<10016x128xf32, #tpu.memory_space<hbm>>) target(%arg8 : memref<128x128xf32, #tpu.memory_space<vmem>>) offsets(%arg6 : memref<128xi32, #tpu.memory_space<vmem>>) semaphore(%arg11 : memref<!tpu.dma_semaphore, #tpu.memory_space<semaphore_mem>>)
      %dma_wait3A = arith.constant 0 : i32
      %dma_wait3A_38 = arith.constant 0 : i32
      %dma_wait3A_39 = tpu.memref_slice %arg2[%dma_wait3A, %dma_wait3A_38] : memref<10016x128xf32, #tpu.memory_space<hbm>> -> memref<10016x128xf32, #tpu.memory_space<hbm>>
      tpu.wait_indirect_dma semaphore(%arg11 : memref<!tpu.dma_semaphore, #tpu.memory_space<semaphore_mem>>) src(%dma_wait3A_39 : memref<10016x128xf32, #tpu.memory_space<hbm>>) dst(%arg8 : memref<128x128xf32, #tpu.memory_space<vmem>>)
      "tpu.region"() ({
        %run_scoped3A = tpu.sem_alloc : memref<!tpu.dma_semaphore, #tpu.memory_space<semaphore_mem>>
        %dma_start3A_41 = arith.constant 0 : i32
        %dma_start3A_42 = arith.constant 0 : i32
        %dma_start3A_43 = tpu.memref_slice %arg10[%dma_start3A_41, %dma_start3A_42] : memref<10240x128xf32, #tpu.memory_space<vmem_shared>> -> memref<10240x128xf32, #tpu.memory_space<vmem_shared>>
        tpu.enqueue_indirect_dma source(%arg8 : memref<128x128xf32, #tpu.memory_space<vmem>>) target(%dma_start3A_43 : memref<10240x128xf32, #tpu.memory_space<vmem_shared>>) offsets(%arg7 : memref<128xi32, #tpu.memory_space<vmem>>) semaphore(%run_scoped3A : memref<!tpu.dma_semaphore, #tpu.memory_space<semaphore_mem>>) {add = true}
        %dma_wait3A_44 = arith.constant 0 : i32
        %dma_wait3A_45 = arith.constant 0 : i32
        %dma_wait3A_46 = tpu.memref_slice %arg10[%dma_wait3A_44, %dma_wait3A_45] : memref<10240x128xf32, #tpu.memory_space<vmem_shared>> -> memref<10240x128xf32, #tpu.memory_space<vmem_shared>>
        tpu.wait_indirect_dma semaphore(%run_scoped3A : memref<!tpu.dma_semaphore, #tpu.memory_space<semaphore_mem>>) src(%arg8 : memref<128x128xf32, #tpu.memory_space<vmem>>) dst(%dma_wait3A_46 : memref<10240x128xf32, #tpu.memory_space<vmem_shared>>)
        tpu.yield
      }) : () -> ()
      %scan3A_40 = arith.constant 0 : i32
      scf.yield %scan3A_40 : i32
    }
    %scan3A_20 = arith.constant 79 : i32
    %barrier3A_21 = arith.constant 0 : index
    tpu.barrier barrier_id(%barrier3A_21)
    %mul3A_22 = arith.constant 640 : i32
    %mul3A_23 = arith.muli %arg1, %mul3A_22 : i32
    %mul3A_24 = arith.constant 10240 : i32
    %mul3A_25 = arith.muli %arg0, %mul3A_24 : i32
    %mul3A_26 = arith.constant 640 : i32
    %mul3A_27 = arith.muli %arg1, %mul3A_26 : i32
    %add3A_28 = arith.addi %mul3A_25, %mul3A_27 : i32
    "tpu.region"() ({
      %run_scoped3A = tpu.sem_alloc : memref<!tpu.dma_semaphore, #tpu.memory_space<semaphore_mem>>
      %dma_start3A = arith.constant 0 : i32
      %dma_start3A_29 = tpu.memref_slice %arg5[%add3A_28, %dma_start3A] : memref<20480x128xf32, #tpu.memory_space<hbm>> -> memref<640x128xf32, #tpu.memory_space<hbm>>
      %dma_start3A_30 = arith.constant 0 : i32
      %dma_start3A_31 = tpu.memref_slice %arg10[%mul3A_23, %dma_start3A_30] : memref<10240x128xf32, #tpu.memory_space<vmem_shared>> -> memref<640x128xf32, #tpu.memory_space<vmem_shared>>
      tpu.enqueue_dma source(%dma_start3A_31 : memref<640x128xf32, #tpu.memory_space<vmem_shared>>) target(%dma_start3A_29 : memref<640x128xf32, #tpu.memory_space<hbm>>) target_semaphore(%run_scoped3A : memref<!tpu.dma_semaphore, #tpu.memory_space<semaphore_mem>>)
      %dma_wait3A = arith.constant 0 : i32
      %dma_wait3A_32 = tpu.memref_slice %arg5[%add3A_28, %dma_wait3A] : memref<20480x128xf32, #tpu.memory_space<hbm>> -> memref<640x128xf32, #tpu.memory_space<hbm>>
      %dma_wait3A_33 = arith.constant 0 : i32
      %dma_wait3A_34 = tpu.memref_slice %arg10[%mul3A_23, %dma_wait3A_33] : memref<10240x128xf32, #tpu.memory_space<vmem_shared>> -> memref<640x128xf32, #tpu.memory_space<vmem_shared>>
      tpu.wait_dma2 semaphore(%run_scoped3A : memref<!tpu.dma_semaphore, #tpu.memory_space<semaphore_mem>>) src(%dma_wait3A_34 : memref<640x128xf32, #tpu.memory_space<vmem_shared>>) dst(%dma_wait3A_32 : memref<640x128xf32, #tpu.memory_space<hbm>>)
      tpu.yield
    }) : () -> ()
    return
  }
}

#map = affine_map<(d0, d1) -> (0)>
#map1 = affine_map<(d0, d1) -> (0, 0)>
module attributes {stable_mosaic.version = 14 : i64} {
  func.func @_deg_body(%arg0: i32, %arg1: i32, %arg2: memref<323584xi32, #tpu.memory_space<hbm>>, %arg3: memref<20480x128xf32, #tpu.memory_space<hbm>>, %arg4: memref<128xi32, #tpu.memory_space<vmem>>, %arg5: memref<128x128xf32, #tpu.memory_space<vmem>>, %arg6: memref<16x128xf32, #tpu.memory_space<vmem>>, %arg7: memref<10240x128xf32, #tpu.memory_space<vmem_shared>>) attributes {dimension_semantics = [#tpu.dimension_semantics<core_parallel>, #tpu.dimension_semantics<subcore_parallel>], iteration_bounds = array<i64: 2, 16>, scalar_prefetch = 0 : i64, scratch_operands = 4 : i64, tpu.core_type = #tpu.core_type<sc_vector_subcore>, window_params = [{transform_indices = #map}, {transform_indices = #map1}]} {
    %mul3A = arith.constant 16 : i32
    %mul3A_0 = arith.muli %arg0, %mul3A : i32
    %add3A = arith.addi %mul3A_0, %arg1 : i32
    %scan3A = arith.constant 0 : i32
    %scan3A_1 = arith.constant 0 : i32
    %scan3A_2 = arith.constant 16 : i32
    %scan3A_3 = arith.addi %scan3A_1, %scan3A_2 : i32
    %scan3A_4 = arith.constant 1 : i32
    %scan3A_5 = scf.for %scan3A_36 = %scan3A_1 to %scan3A_3 step %scan3A_4 iter_args(%scan3A_37 = %scan3A) -> (i32)  : i32 {
      %broadcast_in_dim3A = arith.constant 0.000000e+00 : f32
      %broadcast_in_dim3A_38 = vector.broadcast %broadcast_in_dim3A : f32 to vector<16xf32>
      %swap3A = arith.index_cast %scan3A_36 : i32 to index
      %swap3A_39 = arith.constant 0 : index
      %swap3A_40 = tpu.vector_load %arg6[%swap3A, %swap3A_39] {strides = array<i32>} : memref<16x128xf32, #tpu.memory_space<vmem>>, vector<1x16xf32>,
      %swap3A_41 = vector.shape_cast %swap3A_40 : vector<1x16xf32> to vector<16xf32>
      %swap3A_42 = vector.shape_cast %broadcast_in_dim3A_38 : vector<16xf32> to vector<1x16xf32>
      tpu.vector_store %arg6[%swap3A, %swap3A_39], %swap3A_42 {strides = array<i32>} : memref<16x128xf32, #tpu.memory_space<vmem>>, vector<1x16xf32>,
      %broadcast_in_dim3A_43 = arith.constant 0.000000e+00 : f32
      %broadcast_in_dim3A_44 = vector.broadcast %broadcast_in_dim3A_43 : f32 to vector<16xf32>
      %swap3A_45 = arith.index_cast %scan3A_36 : i32 to index
      %swap3A_46 = arith.constant 16 : index
      %swap3A_47 = tpu.vector_load %arg6[%swap3A_45, %swap3A_46] {strides = array<i32>} : memref<16x128xf32, #tpu.memory_space<vmem>>, vector<1x16xf32>,
      %swap3A_48 = vector.shape_cast %swap3A_47 : vector<1x16xf32> to vector<16xf32>
      %swap3A_49 = vector.shape_cast %broadcast_in_dim3A_44 : vector<16xf32> to vector<1x16xf32>
      tpu.vector_store %arg6[%swap3A_45, %swap3A_46], %swap3A_49 {strides = array<i32>} : memref<16x128xf32, #tpu.memory_space<vmem>>, vector<1x16xf32>,
      %broadcast_in_dim3A_50 = arith.constant 0.000000e+00 : f32
      %broadcast_in_dim3A_51 = vector.broadcast %broadcast_in_dim3A_50 : f32 to vector<16xf32>
      %swap3A_52 = arith.index_cast %scan3A_36 : i32 to index
      %swap3A_53 = arith.constant 32 : index
      %swap3A_54 = tpu.vector_load %arg6[%swap3A_52, %swap3A_53] {strides = array<i32>} : memref<16x128xf32, #tpu.memory_space<vmem>>, vector<1x16xf32>,
      %swap3A_55 = vector.shape_cast %swap3A_54 : vector<1x16xf32> to vector<16xf32>
      %swap3A_56 = vector.shape_cast %broadcast_in_dim3A_51 : vector<16xf32> to vector<1x16xf32>
      tpu.vector_store %arg6[%swap3A_52, %swap3A_53], %swap3A_56 {strides = array<i32>} : memref<16x128xf32, #tpu.memory_space<vmem>>, vector<1x16xf32>,
      %broadcast_in_dim3A_57 = arith.constant 0.000000e+00 : f32
      %broadcast_in_dim3A_58 = vector.broadcast %broadcast_in_dim3A_57 : f32 to vector<16xf32>
      %swap3A_59 = arith.index_cast %scan3A_36 : i32 to index
      %swap3A_60 = arith.constant 48 : index
      %swap3A_61 = tpu.vector_load %arg6[%swap3A_59, %swap3A_60] {strides = array<i32>} : memref<16x128xf32, #tpu.memory_space<vmem>>, vector<1x16xf32>,
      %swap3A_62 = vector.shape_cast %swap3A_61 : vector<1x16xf32> to vector<16xf32>
      %swap3A_63 = vector.shape_cast %broadcast_in_dim3A_58 : vector<16xf32> to vector<1x16xf32>
      tpu.vector_store %arg6[%swap3A_59, %swap3A_60], %swap3A_63 {strides = array<i32>} : memref<16x128xf32, #tpu.memory_space<vmem>>, vector<1x16xf32>,
      %broadcast_in_dim3A_64 = arith.constant 0.000000e+00 : f32
      %broadcast_in_dim3A_65 = vector.broadcast %broadcast_in_dim3A_64 : f32 to vector<16xf32>
      %swap3A_66 = arith.index_cast %scan3A_36 : i32 to index
      %swap3A_67 = arith.constant 64 : index
      %swap3A_68 = tpu.vector_load %arg6[%swap3A_66, %swap3A_67] {strides = array<i32>} : memref<16x128xf32, #tpu.memory_space<vmem>>, vector<1x16xf32>,
      %swap3A_69 = vector.shape_cast %swap3A_68 : vector<1x16xf32> to vector<16xf32>
      %swap3A_70 = vector.shape_cast %broadcast_in_dim3A_65 : vector<16xf32> to vector<1x16xf32>
      tpu.vector_store %arg6[%swap3A_66, %swap3A_67], %swap3A_70 {strides = array<i32>} : memref<16x128xf32, #tpu.memory_space<vmem>>, vector<1x16xf32>,
      %broadcast_in_dim3A_71 = arith.constant 0.000000e+00 : f32
      %broadcast_in_dim3A_72 = vector.broadcast %broadcast_in_dim3A_71 : f32 to vector<16xf32>
      %swap3A_73 = arith.index_cast %scan3A_36 : i32 to index
      %swap3A_74 = arith.constant 80 : index
      %swap3A_75 = tpu.vector_load %arg6[%swap3A_73, %swap3A_74] {strides = array<i32>} : memref<16x128xf32, #tpu.memory_space<vmem>>, vector<1x16xf32>,
      %swap3A_76 = vector.shape_cast %swap3A_75 : vector<1x16xf32> to vector<16xf32>
      %swap3A_77 = vector.shape_cast %broadcast_in_dim3A_72 : vector<16xf32> to vector<1x16xf32>
      tpu.vector_store %arg6[%swap3A_73, %swap3A_74], %swap3A_77 {strides = array<i32>} : memref<16x128xf32, #tpu.memory_space<vmem>>, vector<1x16xf32>,
      %broadcast_in_dim3A_78 = arith.constant 0.000000e+00 : f32
      %broadcast_in_dim3A_79 = vector.broadcast %broadcast_in_dim3A_78 : f32 to vector<16xf32>
      %swap3A_80 = arith.index_cast %scan3A_36 : i32 to index
      %swap3A_81 = arith.constant 96 : index
      %swap3A_82 = tpu.vector_load %arg6[%swap3A_80, %swap3A_81] {strides = array<i32>} : memref<16x128xf32, #tpu.memory_space<vmem>>, vector<1x16xf32>,
      %swap3A_83 = vector.shape_cast %swap3A_82 : vector<1x16xf32> to vector<16xf32>
      %swap3A_84 = vector.shape_cast %broadcast_in_dim3A_79 : vector<16xf32> to vector<1x16xf32>
      tpu.vector_store %arg6[%swap3A_80, %swap3A_81], %swap3A_84 {strides = array<i32>} : memref<16x128xf32, #tpu.memory_space<vmem>>, vector<1x16xf32>,
      %broadcast_in_dim3A_85 = arith.constant 0.000000e+00 : f32
      %broadcast_in_dim3A_86 = vector.broadcast %broadcast_in_dim3A_85 : f32 to vector<16xf32>
      %swap3A_87 = arith.index_cast %scan3A_36 : i32 to index
      %swap3A_88 = arith.constant 112 : index
      %swap3A_89 = tpu.vector_load %arg6[%swap3A_87, %swap3A_88] {strides = array<i32>} : memref<16x128xf32, #tpu.memory_space<vmem>>, vector<1x16xf32>,
      %swap3A_90 = vector.shape_cast %swap3A_89 : vector<1x16xf32> to vector<16xf32>
      %swap3A_91 = vector.shape_cast %broadcast_in_dim3A_86 : vector<16xf32> to vector<1x16xf32>
      tpu.vector_store %arg6[%swap3A_87, %swap3A_88], %swap3A_91 {strides = array<i32>} : memref<16x128xf32, #tpu.memory_space<vmem>>, vector<1x16xf32>,
      %scan3A_92 = arith.constant 0 : i32
      scf.yield %scan3A_92 : i32
    }
    %scan3A_6 = arith.constant 16 : i32
    %scan3A_7 = arith.constant 0 : i32
    %scan3A_8 = arith.constant 0 : i32
    %scan3A_9 = arith.constant 128 : i32
    %scan3A_10 = arith.addi %scan3A_8, %scan3A_9 : i32
    %scan3A_11 = arith.constant 1 : i32
    %scan3A_12 = scf.for %scan3A_36 = %scan3A_8 to %scan3A_10 step %scan3A_11 iter_args(%scan3A_37 = %scan3A_7) -> (i32)  : i32 {
      %broadcast_in_dim3A = arith.constant 1.000000e+00 : f32
      %broadcast_in_dim3A_38 = vector.broadcast %broadcast_in_dim3A : f32 to vector<16xf32>
      %swap3A = arith.index_cast %scan3A_36 : i32 to index
      %swap3A_39 = arith.constant 0 : index
      %swap3A_40 = tpu.vector_load %arg5[%swap3A, %swap3A_39] {strides = array<i32>} : memref<128x128xf32, #tpu.memory_space<vmem>>, vector<1x16xf32>,
      %swap3A_41 = vector.shape_cast %swap3A_40 : vector<1x16xf32> to vector<16xf32>
      %swap3A_42 = vector.shape_cast %broadcast_in_dim3A_38 : vector<16xf32> to vector<1x16xf32>
      tpu.vector_store %arg5[%swap3A, %swap3A_39], %swap3A_42 {strides = array<i32>} : memref<128x128xf32, #tpu.memory_space<vmem>>, vector<1x16xf32>,
      %broadcast_in_dim3A_43 = arith.constant 1.000000e+00 : f32
      %broadcast_in_dim3A_44 = vector.broadcast %broadcast_in_dim3A_43 : f32 to vector<16xf32>
      %swap3A_45 = arith.index_cast %scan3A_36 : i32 to index
      %swap3A_46 = arith.constant 16 : index
      %swap3A_47 = tpu.vector_load %arg5[%swap3A_45, %swap3A_46] {strides = array<i32>} : memref<128x128xf32, #tpu.memory_space<vmem>>, vector<1x16xf32>,
      %swap3A_48 = vector.shape_cast %swap3A_47 : vector<1x16xf32> to vector<16xf32>
      %swap3A_49 = vector.shape_cast %broadcast_in_dim3A_44 : vector<16xf32> to vector<1x16xf32>
      tpu.vector_store %arg5[%swap3A_45, %swap3A_46], %swap3A_49 {strides = array<i32>} : memref<128x128xf32, #tpu.memory_space<vmem>>, vector<1x16xf32>,
      %broadcast_in_dim3A_50 = arith.constant 1.000000e+00 : f32
      %broadcast_in_dim3A_51 = vector.broadcast %broadcast_in_dim3A_50 : f32 to vector<16xf32>
      %swap3A_52 = arith.index_cast %scan3A_36 : i32 to index
      %swap3A_53 = arith.constant 32 : index
      %swap3A_54 = tpu.vector_load %arg5[%swap3A_52, %swap3A_53] {strides = array<i32>} : memref<128x128xf32, #tpu.memory_space<vmem>>, vector<1x16xf32>,
      %swap3A_55 = vector.shape_cast %swap3A_54 : vector<1x16xf32> to vector<16xf32>
      %swap3A_56 = vector.shape_cast %broadcast_in_dim3A_51 : vector<16xf32> to vector<1x16xf32>
      tpu.vector_store %arg5[%swap3A_52, %swap3A_53], %swap3A_56 {strides = array<i32>} : memref<128x128xf32, #tpu.memory_space<vmem>>, vector<1x16xf32>,
      %broadcast_in_dim3A_57 = arith.constant 1.000000e+00 : f32
      %broadcast_in_dim3A_58 = vector.broadcast %broadcast_in_dim3A_57 : f32 to vector<16xf32>
      %swap3A_59 = arith.index_cast %scan3A_36 : i32 to index
      %swap3A_60 = arith.constant 48 : index
      %swap3A_61 = tpu.vector_load %arg5[%swap3A_59, %swap3A_60] {strides = array<i32>} : memref<128x128xf32, #tpu.memory_space<vmem>>, vector<1x16xf32>,
      %swap3A_62 = vector.shape_cast %swap3A_61 : vector<1x16xf32> to vector<16xf32>
      %swap3A_63 = vector.shape_cast %broadcast_in_dim3A_58 : vector<16xf32> to vector<1x16xf32>
      tpu.vector_store %arg5[%swap3A_59, %swap3A_60], %swap3A_63 {strides = array<i32>} : memref<128x128xf32, #tpu.memory_space<vmem>>, vector<1x16xf32>,
      %broadcast_in_dim3A_64 = arith.constant 1.000000e+00 : f32
      %broadcast_in_dim3A_65 = vector.broadcast %broadcast_in_dim3A_64 : f32 to vector<16xf32>
      %swap3A_66 = arith.index_cast %scan3A_36 : i32 to index
      %swap3A_67 = arith.constant 64 : index
      %swap3A_68 = tpu.vector_load %arg5[%swap3A_66, %swap3A_67] {strides = array<i32>} : memref<128x128xf32, #tpu.memory_space<vmem>>, vector<1x16xf32>,
      %swap3A_69 = vector.shape_cast %swap3A_68 : vector<1x16xf32> to vector<16xf32>
      %swap3A_70 = vector.shape_cast %broadcast_in_dim3A_65 : vector<16xf32> to vector<1x16xf32>
      tpu.vector_store %arg5[%swap3A_66, %swap3A_67], %swap3A_70 {strides = array<i32>} : memref<128x128xf32, #tpu.memory_space<vmem>>, vector<1x16xf32>,
      %broadcast_in_dim3A_71 = arith.constant 1.000000e+00 : f32
      %broadcast_in_dim3A_72 = vector.broadcast %broadcast_in_dim3A_71 : f32 to vector<16xf32>
      %swap3A_73 = arith.index_cast %scan3A_36 : i32 to index
      %swap3A_74 = arith.constant 80 : index
      %swap3A_75 = tpu.vector_load %arg5[%swap3A_73, %swap3A_74] {strides = array<i32>} : memref<128x128xf32, #tpu.memory_space<vmem>>, vector<1x16xf32>,
      %swap3A_76 = vector.shape_cast %swap3A_75 : vector<1x16xf32> to vector<16xf32>
      %swap3A_77 = vector.shape_cast %broadcast_in_dim3A_72 : vector<16xf32> to vector<1x16xf32>
      tpu.vector_store %arg5[%swap3A_73, %swap3A_74], %swap3A_77 {strides = array<i32>} : memref<128x128xf32, #tpu.memory_space<vmem>>, vector<1x16xf32>,
      %broadcast_in_dim3A_78 = arith.constant 1.000000e+00 : f32
      %broadcast_in_dim3A_79 = vector.broadcast %broadcast_in_dim3A_78 : f32 to vector<16xf32>
      %swap3A_80 = arith.index_cast %scan3A_36 : i32 to index
      %swap3A_81 = arith.constant 96 : index
      %swap3A_82 = tpu.vector_load %arg5[%swap3A_80, %swap3A_81] {strides = array<i32>} : memref<128x128xf32, #tpu.memory_space<vmem>>, vector<1x16xf32>,
      %swap3A_83 = vector.shape_cast %swap3A_82 : vector<1x16xf32> to vector<16xf32>
      %swap3A_84 = vector.shape_cast %broadcast_in_dim3A_79 : vector<16xf32> to vector<1x16xf32>
      tpu.vector_store %arg5[%swap3A_80, %swap3A_81], %swap3A_84 {strides = array<i32>} : memref<128x128xf32, #tpu.memory_space<vmem>>, vector<1x16xf32>,
      %broadcast_in_dim3A_85 = arith.constant 1.000000e+00 : f32
      %broadcast_in_dim3A_86 = vector.broadcast %broadcast_in_dim3A_85 : f32 to vector<16xf32>
      %swap3A_87 = arith.index_cast %scan3A_36 : i32 to index
      %swap3A_88 = arith.constant 112 : index
      %swap3A_89 = tpu.vector_load %arg5[%swap3A_87, %swap3A_88] {strides = array<i32>} : memref<128x128xf32, #tpu.memory_space<vmem>>, vector<1x16xf32>,
      %swap3A_90 = vector.shape_cast %swap3A_89 : vector<1x16xf32> to vector<16xf32>
      %swap3A_91 = vector.shape_cast %broadcast_in_dim3A_86 : vector<16xf32> to vector<1x16xf32>
      tpu.vector_store %arg5[%swap3A_87, %swap3A_88], %swap3A_91 {strides = array<i32>} : memref<128x128xf32, #tpu.memory_space<vmem>>, vector<1x16xf32>,
      %scan3A_92 = arith.constant 0 : i32
      scf.yield %scan3A_92 : i32
    }
    %scan3A_13 = arith.constant 128 : i32
    %scan3A_14 = arith.constant 0 : i32
    %scan3A_15 = arith.constant 0 : i32
    %scan3A_16 = arith.constant 40 : i32
    %scan3A_17 = arith.addi %scan3A_15, %scan3A_16 : i32
    %scan3A_18 = arith.constant 1 : i32
    %scan3A_19 = scf.for %scan3A_36 = %scan3A_15 to %scan3A_17 step %scan3A_18 iter_args(%scan3A_37 = %scan3A_14) -> (i32)  : i32 {
      %mul3A_38 = arith.constant 640 : i32
      %mul3A_39 = arith.muli %arg1, %mul3A_38 : i32
      %mul3A_40 = arith.constant 16 : i32
      %mul3A_41 = arith.muli %scan3A_36, %mul3A_40 : i32
      %add3A_42 = arith.addi %mul3A_39, %mul3A_41 : i32
      "tpu.region"() ({
        %run_scoped3A = tpu.sem_alloc : memref<!tpu.dma_semaphore, #tpu.memory_space<semaphore_mem>>
        %dma_start3A = arith.constant 0 : i32
        %dma_start3A_44 = tpu.memref_slice %arg7[%add3A_42, %dma_start3A] : memref<10240x128xf32, #tpu.memory_space<vmem_shared>> -> memref<16x128xf32, #tpu.memory_space<vmem_shared>>
        %dma_start3A_45 = arith.constant 0 : i32
        %dma_start3A_46 = tpu.memref_slice %arg7[%add3A_42, %dma_start3A_45] : memref<10240x128xf32, #tpu.memory_space<vmem_shared>> -> memref<16x128xf32, #tpu.memory_space<vmem_shared>>
        tpu.enqueue_dma source(%arg6 : memref<16x128xf32, #tpu.memory_space<vmem>>) target(%dma_start3A_46 : memref<16x128xf32, #tpu.memory_space<vmem_shared>>) target_semaphore(%run_scoped3A : memref<!tpu.dma_semaphore, #tpu.memory_space<semaphore_mem>>)
        %dma_wait3A = arith.constant 0 : i32
        %dma_wait3A_47 = tpu.memref_slice %arg7[%add3A_42, %dma_wait3A] : memref<10240x128xf32, #tpu.memory_space<vmem_shared>> -> memref<16x128xf32, #tpu.memory_space<vmem_shared>>
        %dma_wait3A_48 = arith.constant 0 : i32
        %dma_wait3A_49 = tpu.memref_slice %arg7[%add3A_42, %dma_wait3A_48] : memref<10240x128xf32, #tpu.memory_space<vmem_shared>> -> memref<16x128xf32, #tpu.memory_space<vmem_shared>>
        tpu.wait_dma2 semaphore(%run_scoped3A : memref<!tpu.dma_semaphore, #tpu.memory_space<semaphore_mem>>) src(%arg6 : memref<16x128xf32, #tpu.memory_space<vmem>>) dst(%dma_wait3A_49 : memref<16x128xf32, #tpu.memory_space<vmem_shared>>)
        tpu.yield
      }) : () -> ()
      %scan3A_43 = arith.constant 0 : i32
      scf.yield %scan3A_43 : i32
    }
    %scan3A_20 = arith.constant 40 : i32
    %barrier3A = arith.constant 0 : index
    tpu.barrier barrier_id(%barrier3A)
    %scan3A_21 = arith.constant 0 : i32
    %scan3A_22 = arith.constant 0 : i32
    %scan3A_23 = arith.constant 79 : i32
    %scan3A_24 = arith.addi %scan3A_22, %scan3A_23 : i32
    %scan3A_25 = arith.constant 1 : i32
    %scan3A_26 = scf.for %scan3A_36 = %scan3A_22 to %scan3A_24 step %scan3A_25 iter_args(%scan3A_37 = %scan3A_21) -> (i32)  : i32 {
      %mul3A_38 = arith.constant 79 : i32
      %mul3A_39 = arith.muli %add3A, %mul3A_38 : i32
      %add3A_40 = arith.addi %mul3A_39, %scan3A_36 : i32
      %mul3A_41 = arith.constant 128 : i32
      %mul3A_42 = arith.muli %add3A_40, %mul3A_41 : i32
      "tpu.region"() ({
        %run_scoped3A = tpu.sem_alloc : memref<!tpu.dma_semaphore, #tpu.memory_space<semaphore_mem>>
        %dma_start3A = tpu.memref_slice %arg2[%mul3A_42] : memref<323584xi32, #tpu.memory_space<hbm>> -> memref<128xi32, #tpu.memory_space<hbm>>
        %dma_start3A_44 = tpu.memref_slice %arg2[%mul3A_42] : memref<323584xi32, #tpu.memory_space<hbm>> -> memref<128xi32, #tpu.memory_space<hbm>>
        tpu.enqueue_dma source(%dma_start3A_44 : memref<128xi32, #tpu.memory_space<hbm>>) target(%arg4 : memref<128xi32, #tpu.memory_space<vmem>>) target_semaphore(%run_scoped3A : memref<!tpu.dma_semaphore, #tpu.memory_space<semaphore_mem>>)
        %dma_wait3A = tpu.memref_slice %arg2[%mul3A_42] : memref<323584xi32, #tpu.memory_space<hbm>> -> memref<128xi32, #tpu.memory_space<hbm>>
        %dma_wait3A_45 = tpu.memref_slice %arg2[%mul3A_42] : memref<323584xi32, #tpu.memory_space<hbm>> -> memref<128xi32, #tpu.memory_space<hbm>>
        tpu.wait_dma2 semaphore(%run_scoped3A : memref<!tpu.dma_semaphore, #tpu.memory_space<semaphore_mem>>) src(%dma_wait3A_45 : memref<128xi32, #tpu.memory_space<hbm>>) dst(%arg4 : memref<128xi32, #tpu.memory_space<vmem>>)
        tpu.yield
      }) : () -> ()
      "tpu.region"() ({
        %run_scoped3A = tpu.sem_alloc : memref<!tpu.dma_semaphore, #tpu.memory_space<semaphore_mem>>
        %dma_start3A = arith.constant 0 : i32
        %dma_start3A_44 = arith.constant 0 : i32
        %dma_start3A_45 = tpu.memref_slice %arg7[%dma_start3A, %dma_start3A_44] : memref<10240x128xf32, #tpu.memory_space<vmem_shared>> -> memref<10240x128xf32, #tpu.memory_space<vmem_shared>>
        tpu.enqueue_indirect_dma source(%arg5 : memref<128x128xf32, #tpu.memory_space<vmem>>) target(%dma_start3A_45 : memref<10240x128xf32, #tpu.memory_space<vmem_shared>>) offsets(%arg4 : memref<128xi32, #tpu.memory_space<vmem>>) semaphore(%run_scoped3A : memref<!tpu.dma_semaphore, #tpu.memory_space<semaphore_mem>>) {add = true}
        %dma_wait3A = arith.constant 0 : i32
        %dma_wait3A_46 = arith.constant 0 : i32
        %dma_wait3A_47 = tpu.memref_slice %arg7[%dma_wait3A, %dma_wait3A_46] : memref<10240x128xf32, #tpu.memory_space<vmem_shared>> -> memref<10240x128xf32, #tpu.memory_space<vmem_shared>>
        tpu.wait_indirect_dma semaphore(%run_scoped3A : memref<!tpu.dma_semaphore, #tpu.memory_space<semaphore_mem>>) src(%arg5 : memref<128x128xf32, #tpu.memory_space<vmem>>) dst(%dma_wait3A_47 : memref<10240x128xf32, #tpu.memory_space<vmem_shared>>)
        tpu.yield
      }) : () -> ()
      %scan3A_43 = arith.constant 0 : i32
      scf.yield %scan3A_43 : i32
    }
    %scan3A_27 = arith.constant 79 : i32
    %barrier3A_28 = arith.constant 0 : index
    tpu.barrier barrier_id(%barrier3A_28)
    %mul3A_29 = arith.constant 640 : i32
    %mul3A_30 = arith.muli %arg1, %mul3A_29 : i32
    %mul3A_31 = arith.constant 10240 : i32
    %mul3A_32 = arith.muli %arg0, %mul3A_31 : i32
    %mul3A_33 = arith.constant 640 : i32
    %mul3A_34 = arith.muli %arg1, %mul3A_33 : i32
    %add3A_35 = arith.addi %mul3A_32, %mul3A_34 : i32
    "tpu.region"() ({
      %run_scoped3A = tpu.sem_alloc : memref<!tpu.dma_semaphore, #tpu.memory_space<semaphore_mem>>
      %dma_start3A = arith.constant 0 : i32
      %dma_start3A_36 = tpu.memref_slice %arg3[%add3A_35, %dma_start3A] : memref<20480x128xf32, #tpu.memory_space<hbm>> -> memref<640x128xf32, #tpu.memory_space<hbm>>
      %dma_start3A_37 = arith.constant 0 : i32
      %dma_start3A_38 = tpu.memref_slice %arg7[%mul3A_30, %dma_start3A_37] : memref<10240x128xf32, #tpu.memory_space<vmem_shared>> -> memref<640x128xf32, #tpu.memory_space<vmem_shared>>
      tpu.enqueue_dma source(%dma_start3A_38 : memref<640x128xf32, #tpu.memory_space<vmem_shared>>) target(%dma_start3A_36 : memref<640x128xf32, #tpu.memory_space<hbm>>) target_semaphore(%run_scoped3A : memref<!tpu.dma_semaphore, #tpu.memory_space<semaphore_mem>>)
      %dma_wait3A = arith.constant 0 : i32
      %dma_wait3A_39 = tpu.memref_slice %arg3[%add3A_35, %dma_wait3A] : memref<20480x128xf32, #tpu.memory_space<hbm>> -> memref<640x128xf32, #tpu.memory_space<hbm>>
      %dma_wait3A_40 = arith.constant 0 : i32
      %dma_wait3A_41 = tpu.memref_slice %arg7[%mul3A_30, %dma_wait3A_40] : memref<10240x128xf32, #tpu.memory_space<vmem_shared>> -> memref<640x128xf32, #tpu.memory_space<vmem_shared>>
      tpu.wait_dma2 semaphore(%run_scoped3A : memref<!tpu.dma_semaphore, #tpu.memory_space<semaphore_mem>>) src(%dma_wait3A_41 : memref<640x128xf32, #tpu.memory_space<vmem_shared>>) dst(%dma_wait3A_39 : memref<640x128xf32, #tpu.memory_space<hbm>>)
      tpu.yield
    }) : () -> ()
    return
  }
}

module attributes {stable_mosaic.version = 14 : i64} {
  func.func @_layer_body(%arg0: i32, %arg1: memref<1000x128xf32, #tpu.memory_space<vmem>>, %arg2: memref<1000x128xf32, #tpu.memory_space<vmem>>, %arg3: memref<1000x128xf32, #tpu.memory_space<vmem>>, %arg4: memref<1000x128xf32, #tpu.memory_space<vmem>>, %arg5: memref<1000x128xf32, #tpu.memory_space<vmem>>, %arg6: memref<128x128xf32, #tpu.memory_space<vmem>>, %arg7: memref<1x128xf32, #tpu.memory_space<vmem>>, %arg8: memref<128x128xf32, #tpu.memory_space<vmem>>, %arg9: memref<1000x128xf32, #tpu.memory_space<vmem>>) attributes {dimension_semantics = [#tpu.dimension_semantics<arbitrary>], iteration_bounds = array<i64: 10>, scalar_prefetch = 0 : i64, scratch_operands = 0 : i64, tpu.core_type = #tpu.core_type<tc>, window_params = [{transform_indices = @transform_0, window_bounds = array<i64: 1000, 128>}, {transform_indices = @transform_1, window_bounds = array<i64: 1000, 128>}, {transform_indices = @transform_2, window_bounds = array<i64: 1000, 128>}, {transform_indices = @transform_3, window_bounds = array<i64: 1000, 128>}, {transform_indices = @transform_4, window_bounds = array<i64: 1000, 128>}, {pipeline_mode = #tpu.pipeline_mode<synchronous>, transform_indices = @transform_5, window_bounds = array<i64: 128, 128>}, {pipeline_mode = #tpu.pipeline_mode<synchronous>, transform_indices = @transform_6, window_bounds = array<i64: 1, 128>}, {pipeline_mode = #tpu.pipeline_mode<synchronous>, transform_indices = @transform_7, window_bounds = array<i64: 128, 128>}, {transform_indices = @transform_8, window_bounds = array<i64: 1000, 128>}]} {
    %get3A = arith.constant 0 : index
    %get3A_0 = arith.constant 0 : index
    %get3A_1 = vector.load %arg3[%get3A, %get3A_0] : memref<1000x128xf32, #tpu.memory_space<vmem>>, vector<1000x128xf32>
    %slice3A = vector.extract_strided_slice %get3A_1 {offsets = [0, 0], sizes = [1000, 1], strides = [1, 1]} : vector<1000x128xf32> to vector<1000x1xf32>
    %get3A_2 = arith.constant 0 : index
    %get3A_3 = arith.constant 0 : index
    %get3A_4 = vector.load %arg4[%get3A_2, %get3A_3] : memref<1000x128xf32, #tpu.memory_space<vmem>>, vector<1000x128xf32>
    %slice3A_5 = vector.extract_strided_slice %get3A_4 {offsets = [0, 0], sizes = [1000, 1], strides = [1, 1]} : vector<1000x128xf32> to vector<1000x1xf32>
    %add3A = arith.addf %slice3A, %slice3A_5 : vector<1000x1xf32>
    %get3A_6 = arith.constant 0 : index
    %get3A_7 = arith.constant 0 : index
    %get3A_8 = vector.load %arg1[%get3A_6, %get3A_7] : memref<1000x128xf32, #tpu.memory_space<vmem>>, vector<1000x128xf32>
    %get3A_9 = arith.constant 0 : index
    %get3A_10 = arith.constant 0 : index
    %get3A_11 = vector.load %arg2[%get3A_9, %get3A_10] : memref<1000x128xf32, #tpu.memory_space<vmem>>, vector<1000x128xf32>
    %add3A_12 = arith.addf %get3A_8, %get3A_11 : vector<1000x128xf32>
    %max3A = arith.constant 1.000000e+00 : f32
    %max3A_13 = vector.broadcast %max3A : f32 to vector<1000x1xf32>
    %max3A_14 = arith.maximumf %add3A, %max3A_13 : vector<1000x1xf32>
    %div3A = vector.broadcast %max3A_14 : vector<1000x1xf32> to vector<1000x128xf32>
    %div3A_15 = arith.divf %add3A_12, %div3A : vector<1000x128xf32>
    %get3A_16 = arith.constant 0 : index
    %get3A_17 = arith.constant 0 : index
    %get3A_18 = vector.load %arg6[%get3A_16, %get3A_17] : memref<128x128xf32, #tpu.memory_space<vmem>>, vector<128x128xf32>
    %dot_general3A = arith.constant dense<0.000000e+00> : vector<1000x128xf32>
    %dot_general3A_19 = tpu.matmul %div3A_15, %get3A_18, %dot_general3A {dimension_numbers = #tpu.dot_dimension_numbers<[1], [0], [0], [1], [0, 0, 1, 1], [], []>, precision = #tpu.contract_precision<fp32>, transpose_lhs_hint = false} : vector<1000x128xf32>, vector<128x128xf32>, vector<1000x128xf32> -> vector<1000x128xf32>
    %get3A_20 = arith.constant 0 : index
    %get3A_21 = arith.constant 0 : index
    %get3A_22 = vector.load %arg5[%get3A_20, %get3A_21] : memref<1000x128xf32, #tpu.memory_space<vmem>>, vector<1000x128xf32>
    %get3A_23 = arith.constant 0 : index
    %get3A_24 = arith.constant 0 : index
    %get3A_25 = vector.load %arg8[%get3A_23, %get3A_24] : memref<128x128xf32, #tpu.memory_space<vmem>>, vector<128x128xf32>
    %dot_general3A_26 = arith.constant dense<0.000000e+00> : vector<1000x128xf32>
    %dot_general3A_27 = tpu.matmul %get3A_22, %get3A_25, %dot_general3A_26 {dimension_numbers = #tpu.dot_dimension_numbers<[1], [0], [0], [1], [0, 0, 1, 1], [], []>, precision = #tpu.contract_precision<fp32>, transpose_lhs_hint = false} : vector<1000x128xf32>, vector<128x128xf32>, vector<1000x128xf32> -> vector<1000x128xf32>
    %add3A_28 = arith.addf %dot_general3A_19, %dot_general3A_27 : vector<1000x128xf32>
    %get3A_29 = arith.constant 0 : index
    %get3A_30 = arith.constant 0 : index
    %get3A_31 = vector.load %arg7[%get3A_29, %get3A_30] : memref<1x128xf32, #tpu.memory_space<vmem>>, vector<1x128xf32>
    %add3A_32 = vector.broadcast %get3A_31 : vector<1x128xf32> to vector<1000x128xf32>
    %add3A_33 = arith.addf %add3A_28, %add3A_32 : vector<1000x128xf32>
    %max3A_34 = arith.constant 0.000000e+00 : f32
    %max3A_35 = vector.broadcast %max3A_34 : f32 to vector<1000x128xf32>
    %max3A_36 = arith.maximumf %add3A_33, %max3A_35 : vector<1000x128xf32>
    %swap3A = arith.constant 0 : index
    %swap3A_37 = arith.constant 0 : index
    %swap3A_38 = vector.load %arg9[%swap3A, %swap3A_37] : memref<1000x128xf32, #tpu.memory_space<vmem>>, vector<1000x128xf32>
    tpu.vector_store %arg9[%swap3A, %swap3A_37], %max3A_36 {strides = array<i32>} : memref<1000x128xf32, #tpu.memory_space<vmem>>, vector<1000x128xf32>,
    return
  }
  func.func @transform_0(%arg0: i32) -> (i32, i32) {
    %c0_i32 = arith.constant 0 : i32
    %c0_i32_0 = arith.constant 0 : i32
    return %arg0, %c0_i32 : i32, i32
  }
  func.func @transform_1(%arg0: i32) -> (i32, i32) {
    %c0_i32 = arith.constant 0 : i32
    %c0_i32_0 = arith.constant 0 : i32
    return %arg0, %c0_i32 : i32, i32
  }
  func.func @transform_2(%arg0: i32) -> (i32, i32) {
    %c0_i32 = arith.constant 0 : i32
    %c0_i32_0 = arith.constant 0 : i32
    return %arg0, %c0_i32 : i32, i32
  }
  func.func @transform_3(%arg0: i32) -> (i32, i32) {
    %c0_i32 = arith.constant 0 : i32
    %c0_i32_0 = arith.constant 0 : i32
    return %arg0, %c0_i32 : i32, i32
  }
  func.func @transform_4(%arg0: i32) -> (i32, i32) {
    %c0_i32 = arith.constant 0 : i32
    %c0_i32_0 = arith.constant 0 : i32
    return %arg0, %c0_i32 : i32, i32
  }
  func.func @transform_5(%arg0: i32) -> (i32, i32) {
    %c0_i32 = arith.constant 0 : i32
    %c0_i32_0 = arith.constant 0 : i32
    %c0_i32_1 = arith.constant 0 : i32
    return %c0_i32, %c0_i32_0 : i32, i32
  }
  func.func @transform_6(%arg0: i32) -> (i32, i32) {
    %c0_i32 = arith.constant 0 : i32
    %c0_i32_0 = arith.constant 0 : i32
    %c0_i32_1 = arith.constant 0 : i32
    return %c0_i32, %c0_i32_0 : i32, i32
  }
  func.func @transform_7(%arg0: i32) -> (i32, i32) {
    %c0_i32 = arith.constant 0 : i32
    %c0_i32_0 = arith.constant 0 : i32
    %c0_i32_1 = arith.constant 0 : i32
    return %c0_i32, %c0_i32_0 : i32, i32
  }
  func.func @transform_8(%arg0: i32) -> (i32, i32) {
    %c0_i32 = arith.constant 0 : i32
    %c0_i32_0 = arith.constant 0 : i32
    return %arg0, %c0_i32 : i32, i32
  }
}

module attributes {stable_mosaic.version = 14 : i64} {
  func.func @_layer_body(%arg0: i32, %arg1: memref<1000x128xf32, #tpu.memory_space<vmem>>, %arg2: memref<1000x128xf32, #tpu.memory_space<vmem>>, %arg3: memref<1000x128xf32, #tpu.memory_space<vmem>>, %arg4: memref<1000x128xf32, #tpu.memory_space<vmem>>, %arg5: memref<1000x128xf32, #tpu.memory_space<vmem>>, %arg6: memref<128x128xf32, #tpu.memory_space<vmem>>, %arg7: memref<1x128xf32, #tpu.memory_space<vmem>>, %arg8: memref<128x128xf32, #tpu.memory_space<vmem>>, %arg9: memref<1000x128xf32, #tpu.memory_space<vmem>>) attributes {dimension_semantics = [#tpu.dimension_semantics<arbitrary>], iteration_bounds = array<i64: 10>, scalar_prefetch = 0 : i64, scratch_operands = 0 : i64, tpu.core_type = #tpu.core_type<tc>, window_params = [{transform_indices = @transform_0, window_bounds = array<i64: 1000, 128>}, {transform_indices = @transform_1, window_bounds = array<i64: 1000, 128>}, {transform_indices = @transform_2, window_bounds = array<i64: 1000, 128>}, {transform_indices = @transform_3, window_bounds = array<i64: 1000, 128>}, {transform_indices = @transform_4, window_bounds = array<i64: 1000, 128>}, {pipeline_mode = #tpu.pipeline_mode<synchronous>, transform_indices = @transform_5, window_bounds = array<i64: 128, 128>}, {pipeline_mode = #tpu.pipeline_mode<synchronous>, transform_indices = @transform_6, window_bounds = array<i64: 1, 128>}, {pipeline_mode = #tpu.pipeline_mode<synchronous>, transform_indices = @transform_7, window_bounds = array<i64: 128, 128>}, {transform_indices = @transform_8, window_bounds = array<i64: 1000, 128>}]} {
    %get3A = arith.constant 0 : index
    %get3A_0 = arith.constant 0 : index
    %get3A_1 = vector.load %arg3[%get3A, %get3A_0] : memref<1000x128xf32, #tpu.memory_space<vmem>>, vector<1000x128xf32>
    %slice3A = vector.extract_strided_slice %get3A_1 {offsets = [0, 0], sizes = [1000, 1], strides = [1, 1]} : vector<1000x128xf32> to vector<1000x1xf32>
    %get3A_2 = arith.constant 0 : index
    %get3A_3 = arith.constant 0 : index
    %get3A_4 = vector.load %arg4[%get3A_2, %get3A_3] : memref<1000x128xf32, #tpu.memory_space<vmem>>, vector<1000x128xf32>
    %slice3A_5 = vector.extract_strided_slice %get3A_4 {offsets = [0, 0], sizes = [1000, 1], strides = [1, 1]} : vector<1000x128xf32> to vector<1000x1xf32>
    %add3A = arith.addf %slice3A, %slice3A_5 : vector<1000x1xf32>
    %get3A_6 = arith.constant 0 : index
    %get3A_7 = arith.constant 0 : index
    %get3A_8 = vector.load %arg1[%get3A_6, %get3A_7] : memref<1000x128xf32, #tpu.memory_space<vmem>>, vector<1000x128xf32>
    %get3A_9 = arith.constant 0 : index
    %get3A_10 = arith.constant 0 : index
    %get3A_11 = vector.load %arg2[%get3A_9, %get3A_10] : memref<1000x128xf32, #tpu.memory_space<vmem>>, vector<1000x128xf32>
    %add3A_12 = arith.addf %get3A_8, %get3A_11 : vector<1000x128xf32>
    %max3A = arith.constant 1.000000e+00 : f32
    %max3A_13 = vector.broadcast %max3A : f32 to vector<1000x1xf32>
    %max3A_14 = arith.maximumf %add3A, %max3A_13 : vector<1000x1xf32>
    %div3A = vector.broadcast %max3A_14 : vector<1000x1xf32> to vector<1000x128xf32>
    %div3A_15 = arith.divf %add3A_12, %div3A : vector<1000x128xf32>
    %get3A_16 = arith.constant 0 : index
    %get3A_17 = arith.constant 0 : index
    %get3A_18 = vector.load %arg6[%get3A_16, %get3A_17] : memref<128x128xf32, #tpu.memory_space<vmem>>, vector<128x128xf32>
    %dot_general3A = arith.constant dense<0.000000e+00> : vector<1000x128xf32>
    %dot_general3A_19 = tpu.matmul %div3A_15, %get3A_18, %dot_general3A {dimension_numbers = #tpu.dot_dimension_numbers<[1], [0], [0], [1], [0, 0, 1, 1], [], []>, precision = #tpu.contract_precision<fp32>, transpose_lhs_hint = false} : vector<1000x128xf32>, vector<128x128xf32>, vector<1000x128xf32> -> vector<1000x128xf32>
    %get3A_20 = arith.constant 0 : index
    %get3A_21 = arith.constant 0 : index
    %get3A_22 = vector.load %arg5[%get3A_20, %get3A_21] : memref<1000x128xf32, #tpu.memory_space<vmem>>, vector<1000x128xf32>
    %get3A_23 = arith.constant 0 : index
    %get3A_24 = arith.constant 0 : index
    %get3A_25 = vector.load %arg8[%get3A_23, %get3A_24] : memref<128x128xf32, #tpu.memory_space<vmem>>, vector<128x128xf32>
    %dot_general3A_26 = arith.constant dense<0.000000e+00> : vector<1000x128xf32>
    %dot_general3A_27 = tpu.matmul %get3A_22, %get3A_25, %dot_general3A_26 {dimension_numbers = #tpu.dot_dimension_numbers<[1], [0], [0], [1], [0, 0, 1, 1], [], []>, precision = #tpu.contract_precision<fp32>, transpose_lhs_hint = false} : vector<1000x128xf32>, vector<128x128xf32>, vector<1000x128xf32> -> vector<1000x128xf32>
    %add3A_28 = arith.addf %dot_general3A_19, %dot_general3A_27 : vector<1000x128xf32>
    %get3A_29 = arith.constant 0 : index
    %get3A_30 = arith.constant 0 : index
    %get3A_31 = vector.load %arg7[%get3A_29, %get3A_30] : memref<1x128xf32, #tpu.memory_space<vmem>>, vector<1x128xf32>
    %add3A_32 = vector.broadcast %get3A_31 : vector<1x128xf32> to vector<1000x128xf32>
    %add3A_33 = arith.addf %add3A_28, %add3A_32 : vector<1000x128xf32>
    %swap3A = arith.constant 0 : index
    %swap3A_34 = arith.constant 0 : index
    %swap3A_35 = vector.load %arg9[%swap3A, %swap3A_34] : memref<1000x128xf32, #tpu.memory_space<vmem>>, vector<1000x128xf32>
    tpu.vector_store %arg9[%swap3A, %swap3A_34], %add3A_33 {strides = array<i32>} : memref<1000x128xf32, #tpu.memory_space<vmem>>, vector<1000x128xf32>,
    return
  }
  func.func @transform_0(%arg0: i32) -> (i32, i32) {
    %c0_i32 = arith.constant 0 : i32
    %c0_i32_0 = arith.constant 0 : i32
    return %arg0, %c0_i32 : i32, i32
  }
  func.func @transform_1(%arg0: i32) -> (i32, i32) {
    %c0_i32 = arith.constant 0 : i32
    %c0_i32_0 = arith.constant 0 : i32
    return %arg0, %c0_i32 : i32, i32
  }
  func.func @transform_2(%arg0: i32) -> (i32, i32) {
    %c0_i32 = arith.constant 0 : i32
    %c0_i32_0 = arith.constant 0 : i32
    return %arg0, %c0_i32 : i32, i32
  }
  func.func @transform_3(%arg0: i32) -> (i32, i32) {
    %c0_i32 = arith.constant 0 : i32
    %c0_i32_0 = arith.constant 0 : i32
    return %arg0, %c0_i32 : i32, i32
  }
  func.func @transform_4(%arg0: i32) -> (i32, i32) {
    %c0_i32 = arith.constant 0 : i32
    %c0_i32_0 = arith.constant 0 : i32
    return %arg0, %c0_i32 : i32, i32
  }
  func.func @transform_5(%arg0: i32) -> (i32, i32) {
    %c0_i32 = arith.constant 0 : i32
    %c0_i32_0 = arith.constant 0 : i32
    %c0_i32_1 = arith.constant 0 : i32
    return %c0_i32, %c0_i32_0 : i32, i32
  }
  func.func @transform_6(%arg0: i32) -> (i32, i32) {
    %c0_i32 = arith.constant 0 : i32
    %c0_i32_0 = arith.constant 0 : i32
    %c0_i32_1 = arith.constant 0 : i32
    return %c0_i32, %c0_i32_0 : i32, i32
  }
  func.func @transform_7(%arg0: i32) -> (i32, i32) {
    %c0_i32 = arith.constant 0 : i32
    %c0_i32_0 = arith.constant 0 : i32
    %c0_i32_1 = arith.constant 0 : i32
    return %c0_i32, %c0_i32_0 : i32, i32
  }
  func.func @transform_8(%arg0: i32) -> (i32, i32) {
    %c0_i32 = arith.constant 0 : i32
    %c0_i32_0 = arith.constant 0 : i32
    return %arg0, %c0_i32 : i32, i32
  }
}

</mosaic_0001>

<sc_bundles>
// kernel: kernel.10.cloned.1.call-start
scs
__scs_entry_jumppad:
0x0: {  	(pc) =	sbr.rel $0x88, $3  }
0x1: {  	(tag) =	ssettag $0x0;
	lr =	simm.s32 $0x1  }
0x2: {  	[smem:$0x3F99] =	sst lr;
	_ =	strace $0xD0000000  }
0x3: {  	_ = 	snop  }
0x4: {  	_ = 	snop  }
0x5: {  	_ = 	snop  }
0x6: {  	_ = 	snop  }
0x7: {  	_ = 	snop  }
__scs_overlays_trampoline_lowered:
0x8: {  	[smem:$0x3FA8] =	sst s0  }
0x9: {  	[smem:$0x3FA9] =	sst s1  }
0xa: {  	[smem:$0x3FAA] =	sst s2  }
0xb: {  	[smem:$0x3FAB] =	sst s3  }
0xc: {  	[smem:$0x3FAC] =	sst s4  }
0xd: {  	[smem:$0x3FAD] =	sst s5  }
0xe: {  	[smem:$0x3FAE] =	sst s6  }
0xf: {  	[smem:$0x3FAF] =	sst s7  }
0x10: {  	[smem:$0x3FB0] =	sst s8  }
0x11: {  	[smem:$0x3FB1] =	sst s9;
	s0 =	simm.s32 @!p0 $0x0  }
0x12: {  	s1 =	sld [smem:$0x3F97];
	s0 =	simm.s32 @p0 $0x1  }
0x13: {  	[smem:$0x3FB2] =	sst s0;
	s0 =	simm.s32 @!p1 $0x0  }
0x14: {  	s2 =	sld [smem:$0x3F96];
	s0 =	simm.s32 @p1 $0x1  }
0x15: {  	[smem:$0x3FB3] =	sst s0;
	s0 =	simm.s32 @!p2 $0x0  }
0x16: {  	s3 =	sld [smem:$0x3FDB];
	s0 =	simm.s32 @p2 $0x1  }
0x17: {  	s4 =	simm.s32 $0x1BF5;
	[smem:$0x3FB5] =	sst s0  }
0x18: {  	s0 =	sld [smem:$0x3F98];
	_ =	swait.ge [sflag:s4], $0x0  }
0x19: {  	s7 =	sld [smem:$0x3F99]  }
0x1a: {  	s8 =	sadd.s32 $0xFFFFE003, lr  }
0x1b: {  	s9 =	sadd.s32 $0xFFFFFEF7, lr;
	s5 =	simm.s32 $0xFFFFFFFF;
	p2 =	slt.u32 s8, $0xFFFFF086  }
0x1c: {  	p1 =	slt.u32 s9, $0xF7A;
	s5 =	simm.s32 @!p2 $0x0  }
0x1d: {  	s5 =	simm.s32 @p1 $0x1;
	p0 =	seq.s32 s7, s2  }
0x1e: {  	s7 =	smul.u32 @!p0 $0xF7A, s2;
	p2 =	seq.s32 @!p0 s5, $0x0  }
0x1f: {  	s9 =	smul.u32 $0xF7A, s1;
	s8 =	simm.s32 @!p0 $0x1BF5;
	p2 =	por !p2, p0  }
0x20: {  	[sflag:s8] =	ssyncset.s32 @!p0 $0xFFFFF086;
	s6 =	sadd.s32 @!p0 s3, s7;
	s7 =	simm.s32 @!p0 $0x108  }
0x21: {  	s3 =	sadd.s32 s3, s9;
	s6 =	sadd.s32 @!p0 $0x88, s6;
	s7 =	simm.s32 @p2 $0x1082  }
0x22: {  	[simem:s7], [sflag:s8] =	dma.local @!p0 [hbm:s6], $0xF7A  }
0x23: {  	s9 =	sor.u32 $0xD0000000, s2;
	s6 =	simm.s32 $0x108;
	_ =	swait.ge @!p0 [sflag:s8], $0x0  }
0x24: {  	s3 =	sadd.s32 $0x88, s3;
	s6 =	simm.s32 @!p1 $0x1082;
	[sflag:s4] =	ssyncset.s32 $0xFFFFF086  }
0x25: {  	[simem:s6], [sflag:s4] =	dma.local [hbm:s3], $0xF7A  }
0x26: {  	[smem:$0x3F99] =	sst s1;
	(tag) =	ssettag s2;
	_ =	strace s9  }
0x27: {  	s1 =	sld [smem:$0x3FA9]  }
0x28: {  	s2 =	sld [smem:$0x3FAA]  }
0x29: {  	s4 =	sld [smem:$0x3FAC]  }
0x2a: {  	p0 =	seq.s32 s5, $0x0;
	s5 =	sld [smem:$0x3FAD]  }
0x2b: {  	s6 =	sld [smem:$0x3FAE]  }
0x2c: {  	s7 =	sld [smem:$0x3FAF]  }
0x2d: {  	s3 =	simm.s32 $0x108;
	s8 =	sld [smem:$0x3FB0]  }
0x2e: {  	s3 =	simm.s32 @!p0 $0x1082;
	s9 =	sld [smem:$0x3FB1]  }
0x2f: {  	lr =	sadd.s32 s0, s3;
	s0 =	sld [smem:$0x3FA8]  }
0x30: {  	s3 =	sld [smem:$0x3FAB]  }
0x31: {  	[smem:$0x3FB4] =	sst s10  }
0x32: {  	s10 =	sld [smem:$0x3FB2];
	_ =	sdelay $0x3  }
0x33: {  	p0 =	seq.s32 s10, $0x1;
	s10 =	sld [smem:$0x3FB4];
	_ =	sdelay $0x3  }
0x34: {  	[smem:$0x3FB4] =	sst s10  }
0x35: {  	s10 =	sld [smem:$0x3FB3];
	_ =	sdelay $0x3  }
0x36: {  	p1 =	seq.s32 s10, $0x1;
	s10 =	sld [smem:$0x3FB4];
	_ =	sdelay $0x3  }
0x37: {  	[smem:$0x3FB4] =	sst s10  }
0x38: {  	s10 =	sld [smem:$0x3FB5]  }
0x39: {  	_ = 	snop;
	(pc) =	sbr.ind lr, $3  }
0x3a: {  	_ = 	snop  }
0x3b: {  	_ = 	snop  }
0x3c: {  	p2 =	seq.s32 s10, $0x1;
	s10 =	sld [smem:$0x3FB4]  }
0x3d: {  	_ =	shalt  }
0x3e: {  	_ =	shalt  }
0x3f: {  	_ =	shalt  }
0x40: {  	_ =	shalt  }
0x41: {  	_ =	shalt  }
0x42: {  	_ =	shalt  }
0x43: {  	_ =	shalt  }
0x44: {  	_ =	shalt  }
0x45: {  	_ =	shalt  }
0x46: {  	_ =	shalt  }
0x47: {  	_ =	shalt  }
0x48: {  	_ =	shalt  }
0x49: {  	_ =	shalt  }
0x4a: {  	_ =	shalt  }
0x4b: {  	_ =	shalt  }
0x4c: {  	_ =	shalt  }
0x4d: {  	_ =	shalt  }
0x4e: {  	_ =	shalt  }
0x4f: {  	_ =	shalt  }
0x50: {  	_ =	shalt  }
0x51: {  	_ =	shalt  }
0x52: {  	_ =	shalt  }
0x53: {  	_ =	shalt  }
0x54: {  	_ =	shalt  }
0x55: {  	_ =	shalt  }
0x56: {  	_ =	shalt  }
0x57: {  	_ =	shalt  }
0x58: {  	_ =	shalt  }
0x59: {  	_ =	shalt  }
0x5a: {  	_ =	shalt  }
0x5b: {  	_ =	shalt  }
0x5c: {  	_ =	shalt  }
0x5d: {  	_ =	shalt  }
0x5e: {  	_ =	shalt  }
0x5f: {  	_ =	shalt  }
0x60: {  	_ =	shalt  }
0x61: {  	_ =	shalt  }
0x62: {  	_ =	shalt  }
0x63: {  	_ =	shalt  }
0x64: {  	_ =	shalt  }
0x65: {  	_ =	shalt  }
0x66: {  	_ =	shalt  }
0x67: {  	_ =	shalt  }
0x68: {  	_ =	shalt  }
0x69: {  	_ =	shalt  }
0x6a: {  	_ =	shalt  }
0x6b: {  	_ =	shalt  }
0x6c: {  	_ =	shalt  }
0x6d: {  	_ =	shalt  }
0x6e: {  	_ =	shalt  }
0x6f: {  	_ =	shalt  }
0x70: {  	_ =	shalt  }
0x71: {  	_ =	shalt  }
0x72: {  	_ =	shalt  }
0x73: {  	_ =	shalt  }
0x74: {  	_ =	shalt  }
0x75: {  	_ =	shalt  }
0x76: {  	_ =	shalt  }
0x77: {  	_ =	shalt  }
0x78: {  	_ =	shalt  }
0x79: {  	_ =	shalt  }
0x7a: {  	_ =	shalt  }
0x7b: {  	_ =	shalt  }
0x7c: {  	_ =	shalt  }
0x7d: {  	_ =	shalt  }
0x7e: {  	_ =	shalt  }
0x7f: {  	_ =	shalt  }
0x80: {  	_ =	shalt  }
0x81: {  	_ =	shalt  }
0x82: {  	_ =	shalt  }
0x83: {  	_ =	shalt  }
0x84: {  	_ =	shalt  }
0x85: {  	_ =	shalt  }
0x86: {  	_ =	shalt  }
0x87: {  	_ =	shalt  }
.Lfunc_end0:
.L_simem_size_0:
called_computation.1_lowered:
.L_overlay_start_0:
0x88: {  	s2 =	sld [smem:$0x3FD9]  }
0x89: {  	s3 =	sld [smem:$0x3FFE];
	_ =	sdelay $0x1  }
0x8a: {  	s1 =	srdreg.scid  }
0x8b: {  	s0 =	sand.u32 $0x1, s1  }
0x8c: {  	s17 =	sshll.u32 s0, $0xA;
	s2 =	sadd.s32 s3, s2  }
0x8d: {  	s2 =	sadd.s32 s2, s17  }
0x8e: {  	[smem:$0x3FC0] =	sst s2  }
0x8f: {  	_ = 	snop  }
0x90: {  	(tm) =	ssettm $0x1  }
0x91: {  	s18 =	sld [smem:$0x3FFB];
	_ =	sdelay $0x3  }
0x92: {  	_ =	strace s18  }
0x93: {  	s2 =	sld [smem:$0x3FFC];
	_ =	sdelay $0x3  }
0x94: {  	_ =	strace s2  }
0x95: {  	s2 =	sld [smem:$0x3FFD];
	_ =	sdelay $0x3  }
0x96: {  	_ =	strace s2  }
0x97: {  	_ =	strace $0x8FFFFFFF  }
0x98: {  	s19 =	sld [smem:$0x3FDB];
	_ =	sdelay $0x1  }
0x99: {  	s20 =	simm.s32 $_scs_section_size  }
0x9a: {  	s4 =	simm.s32 $_size__tile_overlayer_lowered;
	s5 =	simm.s32 $_tile_overlayer_lowered  }
0x9b: {  	s6 =	simm.s32 $0x1BFF;
	s21 =	sshll.u32 s5, $0x1;
	s3 =	sadd.s32 s20, s19  }
0x9c: {  	s22 =	simm.s32 $0x0;
	s4 =	sshll.u32 s4, $0x1;
	s5 =	sadd.s32 s21, s3  }
0x9d: {  	[timem:s22], [sflag:s6] =	dma.local [hbm:s5], s4  }
0x9e: {  	_ =	swait.ge [sflag:s6], s4  }
0x9f: {  	s4 =	ssub.s32 $0x0, s4;
	[sflag:s6] =	ssyncset.done $0x0  }
0xa0: {  	[sflag:s6] =	ssyncadd.s32 s4;
	_ =	sdelay $0x1  }
0xa1: {  	s23 =	simm.s32 $0x1B8B  }
0xa2: {  	_ =	swait.ge [sflag:s23], $0x1  }
0xa3: {  	[sflag:s23] =	ssyncset.done $0x0  }
0xa4: {  	[sflag:s23] =	ssyncadd.s32 $0xFFFFFFFF  }
0xa5: {  	s4 =	sld [smem:$0x0]  }
0xa6: {  	s5 =	sand.u32 $0xFFFFFFFE, s1  }
0xa7: {  	p0 =	sne.s32 s1, s5  }
0xa8: {  	s5 =	sshll.u32 @p0 s5, $0xE  }
0xa9: {  	s5 =	sadd.s32 @p0 $0x11B8D, s5;
	s6 =	sshll.u32 @p0 s4, $0x11  }
0xaa: {  	s5 =	sor.u32 @p0 s6, s5  }
0xab: {  	[sflag:s5] =	ssyncadd.remote.s32 @p0 $0x1;
	_ =	sdelay $0x1  }
0xac: {  	s5 =	simm.s32 @p0 $0x1B8D  }
0xad: {  	_ =	swait.eq @p0 [sflag:s5], $0x1  }
0xae: {  	[sflag:s5] =	ssyncadd.s32 @p0 $0xFFFFFFFF  }
0xaf: {  	s6 =	sshll.u32 @!p0 s1, $0xE  }
0xb0: {  	s6 =	sor.u32 @!p0 $0x4000, s6;
	s5 =	simm.s32 @!p0 $0x1B8D  }
0xb1: {  	s4 =	sshll.u32 @!p0 s4, $0x11;
	s6 =	sadd.s32 @!p0 $0x11B8D, s6;
	_ =	swait.eq @!p0 [sflag:s5], $0x1  }
0xb2: {  	s4 =	sor.u32 @!p0 s4, s6;
	[sflag:s5] =	ssyncadd.s32 @!p0 $0xFFFFFFFF  }
0xb3: {  	s25 =	simm.s32 $0x1B8E;
	s24 =	sld [smem:$0x3FFE];
	[sflag:s4] =	ssyncadd.remote.s32 @!p0 $0x1  }
0xb4: {  	s26 =	simm.s32 $execute0_lowered;
	[smem:$0x3FD2] =	sst s25  }
0xb5: {  	s5 =	sshll.u32 s26, $0x1;
	_ =	strace $0x80000049;
	[dreg:$0x1] =	wrdreg $0xFFFFFFFF  }
0xb6: {  	s28 =	simm.s32 $_size_execute0_lowered;
	s3 =	sadd.s32 s3, s5;
	[dreg:$0x0] =	wrdreg $0x0  }
0xb7: {  	s5 =	sshll.u32 s28, $0x1;
	[dreg:$0x2] =	wrdreg s3  }
0xb8: {  	[dreg:$0x3] =	wrdreg s5  }
0xb9: {  	[dreg:$0x4] =	wrdreg $0xC0  }
0xba: {  	_ =	task [dreg:s22], $0x5FFFF  }
0xbb: {  	[dreg:$0x1] =	wrdreg $0xFFFFFFFF  }
0xbc: {  	[dreg:$0x0] =	wrdreg $0x60  }
0xbd: {  	[dreg:$0x2] =	wrdreg s24  }
0xbe: {  	[dreg:$0x3] =	wrdreg $0x48800  }
0xbf: {  	[dreg:$0x4] =	wrdreg $0xA  }
0xc0: {  	_ =	task.clear_ibuf [dreg:s22], $0x5FFFF;
	_ =	strace $0x90000049  }
0xc1: {  	s29 =	simm.s32 $0xA;
	_ =	strace $0x8000004B  }
0xc2: {  	_ =	swait.ge [sflag:s29], $0x1  }
0xc3: {  	[sflag:s29] =	ssyncadd.s32 $0xFFFFFFFF  }
0xc4: {  	_ =	strace $0x9000004B  }
0xc5: {  	_ =	sfence  }
0xc6: {  	s30 =	sld [smem:$0x0];
	_ =	sdelay $0x2  }
0xc7: {  	s31 =	sshll.u32 s1, $0xD;
	s1 =	sshrl.u32 s1, $0x2  }
0xc8: {  	s4 =	sand.u32 $0x4000, s31;
	s1 =	sadd.s32 s1, s30  }
0xc9: {  	s0 =	sor.u32 s4, s0;
	s1 =	sshll.u32 s1, $0x11  }
0xca: {  	s0 =	sor.u32 s1, s0  }
0xcb: {  	s0 =	sadd.s32 $0x8F2B, s0  }
0xcc: {  	[sflag:s0] =	ssyncadd.remote.s32 $0x1  }
0xcd: {  	_ =	sfence.sel $0xFFFF  }
0xce: {  	[dreg:$0x0] =	wrdreg $0xFFFFFFFF;
	(pc) =	sbr.abs _section_cstart, $3  }
0xcf: {  	[dreg:$0x1] =	wrdreg $0xFFFFFFFF  }
0xd0: {  	_ =	task.clear_ibuf [dreg:s22], $0x2FFFF;
	_ =	strace $0x9FFFFFFF  }
0xd1: {  	(tm) =	ssettm $0x7FFFFFFF  }
tec
execute0_lowered:
.L_overlay_start_1:
0x0: {  	(tag) =	ssettag $0x1  }
0x1: {  	s4 =	rddreg [dreg:$0x0];
	s2 =	srdreg.scid  }
0x2: {  	s1 =	rddreg [dreg:$0x1];
	s5 =	sand.u32 $0x1, s2  }
0x3: {  	s0 =	rddreg [dreg:$0x2];
	s6 =	smul.u32 $0x4F00, s5  }
0x4: {  	s3 =	simm.s32 $0x0;
	s2 =	stileid.u32;
	s7 =	smul.u32 $0x28000, s5  }
0x5: {  	s13 =	simm.s32 $0x0;
	[smem:$0x7FF] =	sst s3;
	s8 =	smul.u32 $0x2800, s2  }
0x6: {  	_ =	strace $0x8000004A;
	s5 =	ssub.s32 $0x2, s5;
	s9 =	smul.u32 $0x50000, s2  }
0x7: {  	s10 =	smul.u32 $0x4F0, s2;
	s11 =	sshll.u32 s2, $0x6;
	s29 =	sshrl.u32 s5, $0x1  }
0x8: {  	s11 =	sor.u32 $0x1C01, s11;
	s6 =	sadd.s32 s6, s4;
	s7 =	sadd.s32 s8, s7  }
0x9: {  	s8 =	ssub.s32 s5, s29;
	s30 =	sshrl.u32 s9, $0x2;
	s9 =	simm.s32 $0x1  }
0xa: {  	s7 =	sadd.s32 s7, s4;
	s4 =	sadd.s32 s30, s1;
	s31 =	sadd.s32 s10, s6  }
0xb: {  	s6 =	smax.u32 s8, $0x1;
	s8 =	simm.s32 $0x4080;
	s10 =	simm.s32 $0x80  }
0xc: {  	v0 =	vimm.f32 $0.0e+00;
	v1 =	vimm.f32 $1.000000000e+00;
	s5 =	sadd.s32 $0x83200, s7;
	s7 =	sadd.s32 $0x29400, s31;
	s12 =	sshrl.u32 s4, $0x3  }
.LBB2_1:
0xd: {  	s14 =	simm.s32 $0x0;
	s15 =	simm.s32 $0x200  }
.LBB2_2:
0xe: {  	p0 =	sne.s32 s15, $0x1E00;
	[tilespmem:s14+$0x40F0] =	vst v0  }
0xf: {  	[tilespmem:s14+$0x4080] =	vst v0  }
0x10: {  	[tilespmem:s14+$0x4090] =	vst v0  }
.Ltmp0:
0x11: {  	[tilespmem:s14+$0x40A0] =	vst v0;
	(pc) =	sbr.rel @p0 .LBB2_2-.Ltmp0, $4  }
0x12: {  	[tilespmem:s14+$0x40B0] =	vst v0  }
0x13: {  	[tilespmem:s14+$0x40C0] =	vst v0  }
0x14: {  	[tilespmem:s14+$0x40D0] =	vst v0  }
0x15: {  	[tilespmem:s14+$0x40E0] =	vst v0;
	s14 =	sshra.s32 s15, $0x2;
	s15 =	sadd.s32 $0x200, s15  }
0x16: {  	[tilespmem:s14+$0x40F0] =	vst v0  }
0x17: {  	[tilespmem:s14+$0x4080] =	vst v0  }
0x18: {  	[tilespmem:s14+$0x4090] =	vst v0  }
0x19: {  	[tilespmem:s14+$0x40A0] =	vst v0  }
0x1a: {  	[tilespmem:s14+$0x40B0] =	vst v0  }
0x1b: {  	[tilespmem:s14+$0x40C0] =	vst v0  }
0x1c: {  	[tilespmem:s14+$0x40D0] =	vst v0  }
0x1d: {  	[tilespmem:s14+$0x40E0] =	vst v0;
	s14 =	simm.s32 $0x0;
	s15 =	simm.s32 $0x200  }
.LBB2_4:
0x1e: {  	p0 =	sne.s32 s15, $0xFE00;
	[tilespmem:s14+$0xF0] =	vst v1  }
0x1f: {  	[tilespmem:s14+$0x80] =	vst v1  }
0x20: {  	[tilespmem:s14+$0x90] =	vst v1  }
.Ltmp1:
0x21: {  	[tilespmem:s14+$0xA0] =	vst v1;
	(pc) =	sbr.rel @p0 .LBB2_4-.Ltmp1, $4  }
0x22: {  	[tilespmem:s14+$0xB0] =	vst v1  }
0x23: {  	[tilespmem:s14+$0xC0] =	vst v1  }
0x24: {  	[tilespmem:s14+$0xD0] =	vst v1  }
0x25: {  	[tilespmem:s14+$0xE0] =	vst v1;
	s14 =	sshra.s32 s15, $0x2;
	s15 =	sadd.s32 $0x200, s15  }
0x26: {  	[tilespmem:s14+$0xF0] =	vst v1  }
0x27: {  	[tilespmem:s14+$0x80] =	vst v1  }
0x28: {  	[tilespmem:s14+$0x90] =	vst v1  }
0x29: {  	[tilespmem:s14+$0xA0] =	vst v1  }
0x2a: {  	[tilespmem:s14+$0xB0] =	vst v1  }
0x2b: {  	[tilespmem:s14+$0xC0] =	vst v1  }
0x2c: {  	[tilespmem:s14+$0xD0] =	vst v1  }
0x2d: {  	[tilespmem:s14+$0xE0] =	vst v1;
	s31 =	sadd.s32 $0x0, s4  }
0x2e: {  	[spmem:s31] =	stream.linear.scatter [tilespmem:s8], [sflag:$0x1], $0x800, $0x38;
	[tilespmem:$0x18880] =	vst v63  }
0x2f: {  	s14 =	simm.s32 $0x2000;
	_ =	swait.ge [sflag:s9], $0x800  }
.LBB2_6:
0x30: {  	s15 =	sshra.s32 s14, $0x2;
	[sflag:s9] =	ssyncset.done $0x0;
	p0 =	sne.s32 s14, $0x4E000  }
.Ltmp2:
0x31: {  	s15 =	sadd.s32 s15, s4;
	[sflag:s9] =	ssyncadd.s32 $0xFFFFF800;
	(pc) =	sbr.rel @p0 .LBB2_6-.Ltmp2, $3  }
0x32: {  	[spmem:s15] =	stream.linear.scatter [tilespmem:s8], [sflag:$0x1], $0x800, $0x38;
	[tilespmem:$0x18880] =	vst v63  }
0x33: {  	s14 =	sadd.s32 $0x2000, s14;
	_ =	sdelay $0x1  }
0x34: {  	_ =	swait.ge [sflag:s9], $0x800  }
0x35: {  	[sflag:s9] =	ssyncset.done $0x0  }
0x36: {  	[sflag:s9] =	ssyncadd.s32 $0xFFFFF800  }
0x37: {  	s14 =	sadd.s32 $0x0, s7;
	[bflag:$0x0] =	sbarrier.arrive $0xFFFF  }
0x38: {  	[tilespmem:s3], [sflag:$0x1] =	stream.linear.gather [hbm4b:s14+s3], $0x80, $0x38;
	[tilespmem:$0x18880] =	vst v63  }
0x39: {  	_ =	swait.ge [sflag:s9], $0x80  }
0x3a: {  	[sflag:s9] =	ssyncset.done $0x0  }
0x3b: {  	[sflag:s9] =	ssyncadd.s32 $0xFFFFFF80  }
0x3c: {  	[spmem:s1] =	stream.indirect.scatter.add.f32 [tilespmem:s10], [sflag:$0x1], $0x80, s3, s10, $0xb8;
	[tilespmem:$0x18880] =	vst v63  }
0x3d: {  	_ =	swait.ge [sflag:s9], $0x4000  }
0x3e: {  	s15 =	simm.s32 $0x20;
	s14 =	simm.s32 $0x10;
	[sflag:s9] =	ssyncset.done $0x0  }
.LBB2_8:
0x3f: {  	s16 =	sadd.s32 s14, s7  }
0x40: {  	[sflag:s9] =	ssyncadd.s32 $0xFFFFC000;
	s14 =	smov.u32 s15;
	s17 =	sadd.s32 $0x10, s15  }
0x41: {  	[tilespmem:s3], [sflag:$0x1] =	stream.linear.gather [hbm4b:s16+s3], $0x80, $0x38;
	[tilespmem:$0x18880] =	vst v63  }
0x42: {  	p0 =	sne.s32 s15, $0x4E0;
	_ =	swait.ge [sflag:s9], $0x80  }
.Ltmp3:
0x43: {  	[sflag:s9] =	ssyncset.done $0x0;
	(pc) =	sbr.rel @p0 .LBB2_8-.Ltmp3, $4  }
0x44: {  	[sflag:s9] =	ssyncadd.s32 $0xFFFFFF80  }
0x45: {  	[spmem:s1] =	stream.indirect.scatter.add.f32 [tilespmem:s10], [sflag:$0x1], $0x80, s3, s10, $0xb8;
	[tilespmem:$0x18880] =	vst v63  }
0x46: {  	_ =	swait.ge [sflag:s9], $0x4000  }
0x47: {  	s15 =	smov.u32 s17;
	[sflag:s9] =	ssyncset.done $0x0  }
0x48: {  	s14 =	sadd.s32 s14, s7;
	[sflag:s9] =	ssyncadd.s32 $0xFFFFC000  }
0x49: {  	[tilespmem:s3], [sflag:$0x1] =	stream.linear.gather [hbm4b:s14+s3], $0x80, $0x38;
	[tilespmem:$0x18880] =	vst v63  }
0x4a: {  	_ =	swait.ge [sflag:s9], $0x80  }
0x4b: {  	[sflag:s9] =	ssyncset.done $0x0  }
0x4c: {  	[sflag:s9] =	ssyncadd.s32 $0xFFFFFF80  }
0x4d: {  	[spmem:s1] =	stream.indirect.scatter.add.f32 [tilespmem:s10], [sflag:$0x1], $0x80, s3, s10, $0xb8;
	[tilespmem:$0x18880] =	vst v63  }
0x4e: {  	_ =	swait.ge [sflag:s9], $0x4000  }
0x4f: {  	s13 =	sadd.s32 $0x1, s13;
	[sflag:s9] =	ssyncset.done $0x0  }
0x50: {  	p0 =	sne.s32 s13, s6;
	[sflag:s9] =	ssyncadd.s32 $0xFFFFC000  }
.Ltmp4:
0x51: {  	[bflag:$0x0] =	sbarrier.arrive $0xFFFF;
	(pc) =	sbr.rel @p0 .LBB2_1-.Ltmp4, $4  }
0x52: {  	[hbm:s5], [sflag:s11] =	dma.local [spmem:s12], $0x2800  }
0x53: {  	_ =	swait.ge [sflag:s9], $0x2800  }
0x54: {  	[sflag:s9] =	ssyncset.done $0x0  }
0x55: {  	[sflag:s9] =	ssyncadd.s32 $0xFFFFD800  }
0x56: {  	_ =	sfence.sel $0x180000  }
0x57: {  	[bflag:$0x0] =	sbarrier.arrive $0xFFFF  }
0x58: {  	p0 =	sne.s32 s2, $0x0;
	_ =	strace $0x9000004A  }
0x59: {  	s0 =	sadd.s32 @!p0 $0x100000, s0;
	[bflag:$0x2] =	sbarrier.arrive $0xFFFF  }
0x5a: {  	[sflag:s0] =	ssyncadd.tile.s32 @!p0 $0x1;
	_ =	shalt  }
.Lfunc_end2:
_tile_overlayer_lowered:
.L_overlay_start_2:
0x5b: {  	(tag) =	ssettag $0x2  }
0x5c: {  	s0 =	rddreg [dreg:$0x0];
	s2 =	stileid.u32  }
0x5d: {  	s1 =	rddreg [dreg:$0x1];
	p0 =	sne.s32 s2, $0x0  }
0x5e: {  	s3 =	rddreg [dreg:$0x2];
	[bflag:$0x3] =	sbarrier.arrive $0xFFFF;
	s2 =	simm.s32 @!p0 $0x1C01  }
0x5f: {  	[timem:s3], [sflag:s2] =	dma.local @!p0 [hbm:s0], s1  }
0x60: {  	s0 =	simm.s32 @!p0 $0x1  }
0x61: {  	_ =	swait.ge @!p0 [sflag:s0], s1  }
0x62: {  	s1 =	ssub.s32 @!p0 $0x0, s1;
	[sflag:s0] =	ssyncset.done @!p0 $0x0  }
0x63: {  	[sflag:s0] =	ssyncadd.s32 @!p0 s1  }
0x64: {  	[bflag:$0x3] =	sbarrier.arrive $0xFFFF  }
0x65: {  	_ =	shalt  }

// kernel: kernel.13.cloned.1.call-start
scs
__scs_entry_jumppad:
0x0: {  	(pc) =	sbr.rel $0x88, $3  }
0x1: {  	(tag) =	ssettag $0x0;
	lr =	simm.s32 $0x1  }
0x2: {  	[smem:$0x3F99] =	sst lr;
	_ =	strace $0xD0000000  }
0x3: {  	_ = 	snop  }
0x4: {  	_ = 	snop  }
0x5: {  	_ = 	snop  }
0x6: {  	_ = 	snop  }
0x7: {  	_ = 	snop  }
__scs_overlays_trampoline_lowered:
0x8: {  	[smem:$0x3FA8] =	sst s0  }
0x9: {  	[smem:$0x3FA9] =	sst s1  }
0xa: {  	[smem:$0x3FAA] =	sst s2  }
0xb: {  	[smem:$0x3FAB] =	sst s3  }
0xc: {  	[smem:$0x3FAC] =	sst s4  }
0xd: {  	[smem:$0x3FAD] =	sst s5  }
0xe: {  	[smem:$0x3FAE] =	sst s6  }
0xf: {  	[smem:$0x3FAF] =	sst s7  }
0x10: {  	[smem:$0x3FB0] =	sst s8  }
0x11: {  	[smem:$0x3FB1] =	sst s9;
	s0 =	simm.s32 @!p0 $0x0  }
0x12: {  	s1 =	sld [smem:$0x3F97];
	s0 =	simm.s32 @p0 $0x1  }
0x13: {  	[smem:$0x3FB2] =	sst s0;
	s0 =	simm.s32 @!p1 $0x0  }
0x14: {  	s2 =	sld [smem:$0x3F96];
	s0 =	simm.s32 @p1 $0x1  }
0x15: {  	[smem:$0x3FB3] =	sst s0;
	s0 =	simm.s32 @!p2 $0x0  }
0x16: {  	s3 =	sld [smem:$0x3FDB];
	s0 =	simm.s32 @p2 $0x1  }
0x17: {  	s4 =	simm.s32 $0x1BF5;
	[smem:$0x3FB5] =	sst s0  }
0x18: {  	s0 =	sld [smem:$0x3F98];
	_ =	swait.ge [sflag:s4], $0x0  }
0x19: {  	s7 =	sld [smem:$0x3F99]  }
0x1a: {  	s8 =	sadd.s32 $0xFFFFE003, lr  }
0x1b: {  	s9 =	sadd.s32 $0xFFFFFEF7, lr;
	s5 =	simm.s32 $0xFFFFFFFF;
	p2 =	slt.u32 s8, $0xFFFFF086  }
0x1c: {  	p1 =	slt.u32 s9, $0xF7A;
	s5 =	simm.s32 @!p2 $0x0  }
0x1d: {  	s5 =	simm.s32 @p1 $0x1;
	p0 =	seq.s32 s7, s2  }
0x1e: {  	s7 =	smul.u32 @!p0 $0xF7A, s2;
	p2 =	seq.s32 @!p0 s5, $0x0  }
0x1f: {  	s9 =	smul.u32 $0xF7A, s1;
	s8 =	simm.s32 @!p0 $0x1BF5;
	p2 =	por !p2, p0  }
0x20: {  	[sflag:s8] =	ssyncset.s32 @!p0 $0xFFFFF086;
	s6 =	sadd.s32 @!p0 s3, s7;
	s7 =	simm.s32 @!p0 $0x108  }
0x21: {  	s3 =	sadd.s32 s3, s9;
	s6 =	sadd.s32 @!p0 $0x88, s6;
	s7 =	simm.s32 @p2 $0x1082  }
0x22: {  	[simem:s7], [sflag:s8] =	dma.local @!p0 [hbm:s6], $0xF7A  }
0x23: {  	s9 =	sor.u32 $0xD0000000, s2;
	s6 =	simm.s32 $0x108;
	_ =	swait.ge @!p0 [sflag:s8], $0x0  }
0x24: {  	s3 =	sadd.s32 $0x88, s3;
	s6 =	simm.s32 @!p1 $0x1082;
	[sflag:s4] =	ssyncset.s32 $0xFFFFF086  }
0x25: {  	[simem:s6], [sflag:s4] =	dma.local [hbm:s3], $0xF7A  }
0x26: {  	[smem:$0x3F99] =	sst s1;
	(tag) =	ssettag s2;
	_ =	strace s9  }
0x27: {  	s1 =	sld [smem:$0x3FA9]  }
0x28: {  	s2 =	sld [smem:$0x3FAA]  }
0x29: {  	s4 =	sld [smem:$0x3FAC]  }
0x2a: {  	p0 =	seq.s32 s5, $0x0;
	s5 =	sld [smem:$0x3FAD]  }
0x2b: {  	s6 =	sld [smem:$0x3FAE]  }
0x2c: {  	s7 =	sld [smem:$0x3FAF]  }
0x2d: {  	s3 =	simm.s32 $0x108;
	s8 =	sld [smem:$0x3FB0]  }
0x2e: {  	s3 =	simm.s32 @!p0 $0x1082;
	s9 =	sld [smem:$0x3FB1]  }
0x2f: {  	lr =	sadd.s32 s0, s3;
	s0 =	sld [smem:$0x3FA8]  }
0x30: {  	s3 =	sld [smem:$0x3FAB]  }
0x31: {  	[smem:$0x3FB4] =	sst s10  }
0x32: {  	s10 =	sld [smem:$0x3FB2];
	_ =	sdelay $0x3  }
0x33: {  	p0 =	seq.s32 s10, $0x1;
	s10 =	sld [smem:$0x3FB4];
	_ =	sdelay $0x3  }
0x34: {  	[smem:$0x3FB4] =	sst s10  }
0x35: {  	s10 =	sld [smem:$0x3FB3];
	_ =	sdelay $0x3  }
0x36: {  	p1 =	seq.s32 s10, $0x1;
	s10 =	sld [smem:$0x3FB4];
	_ =	sdelay $0x3  }
0x37: {  	[smem:$0x3FB4] =	sst s10  }
0x38: {  	s10 =	sld [smem:$0x3FB5]  }
0x39: {  	_ = 	snop;
	(pc) =	sbr.ind lr, $3  }
0x3a: {  	_ = 	snop  }
0x3b: {  	_ = 	snop  }
0x3c: {  	p2 =	seq.s32 s10, $0x1;
	s10 =	sld [smem:$0x3FB4]  }
0x3d: {  	_ =	shalt  }
0x3e: {  	_ =	shalt  }
0x3f: {  	_ =	shalt  }
0x40: {  	_ =	shalt  }
0x41: {  	_ =	shalt  }
0x42: {  	_ =	shalt  }
0x43: {  	_ =	shalt  }
0x44: {  	_ =	shalt  }
0x45: {  	_ =	shalt  }
0x46: {  	_ =	shalt  }
0x47: {  	_ =	shalt  }
0x48: {  	_ =	shalt  }
0x49: {  	_ =	shalt  }
0x4a: {  	_ =	shalt  }
0x4b: {  	_ =	shalt  }
0x4c: {  	_ =	shalt  }
0x4d: {  	_ =	shalt  }
0x4e: {  	_ =	shalt  }
0x4f: {  	_ =	shalt  }
0x50: {  	_ =	shalt  }
0x51: {  	_ =	shalt  }
0x52: {  	_ =	shalt  }
0x53: {  	_ =	shalt  }
0x54: {  	_ =	shalt  }
0x55: {  	_ =	shalt  }
0x56: {  	_ =	shalt  }
0x57: {  	_ =	shalt  }
0x58: {  	_ =	shalt  }
0x59: {  	_ =	shalt  }
0x5a: {  	_ =	shalt  }
0x5b: {  	_ =	shalt  }
0x5c: {  	_ =	shalt  }
0x5d: {  	_ =	shalt  }
0x5e: {  	_ =	shalt  }
0x5f: {  	_ =	shalt  }
0x60: {  	_ =	shalt  }
0x61: {  	_ =	shalt  }
0x62: {  	_ =	shalt  }
0x63: {  	_ =	shalt  }
0x64: {  	_ =	shalt  }
0x65: {  	_ =	shalt  }
0x66: {  	_ =	shalt  }
0x67: {  	_ =	shalt  }
0x68: {  	_ =	shalt  }
0x69: {  	_ =	shalt  }
0x6a: {  	_ =	shalt  }
0x6b: {  	_ =	shalt  }
0x6c: {  	_ =	shalt  }
0x6d: {  	_ =	shalt  }
0x6e: {  	_ =	shalt  }
0x6f: {  	_ =	shalt  }
0x70: {  	_ =	shalt  }
0x71: {  	_ =	shalt  }
0x72: {  	_ =	shalt  }
0x73: {  	_ =	shalt  }
0x74: {  	_ =	shalt  }
0x75: {  	_ =	shalt  }
0x76: {  	_ =	shalt  }
0x77: {  	_ =	shalt  }
0x78: {  	_ =	shalt  }
0x79: {  	_ =	shalt  }
0x7a: {  	_ =	shalt  }
0x7b: {  	_ =	shalt  }
0x7c: {  	_ =	shalt  }
0x7d: {  	_ =	shalt  }
0x7e: {  	_ =	shalt  }
0x7f: {  	_ =	shalt  }
0x80: {  	_ =	shalt  }
0x81: {  	_ =	shalt  }
0x82: {  	_ =	shalt  }
0x83: {  	_ =	shalt  }
0x84: {  	_ =	shalt  }
0x85: {  	_ =	shalt  }
0x86: {  	_ =	shalt  }
0x87: {  	_ =	shalt  }
.Lfunc_end0:
.L_simem_size_0:
called_computation.2_lowered:
.L_overlay_start_0:
0x88: {  	s2 =	sld [smem:$0x3FD9]  }
0x89: {  	s3 =	sld [smem:$0x3FFE];
	_ =	sdelay $0x1  }
0x8a: {  	s1 =	srdreg.scid  }
0x8b: {  	s0 =	sand.u32 $0x1, s1  }
0x8c: {  	s17 =	sshll.u32 s0, $0xA;
	s2 =	sadd.s32 s3, s2  }
0x8d: {  	s2 =	sadd.s32 s2, s17  }
0x8e: {  	[smem:$0x3FC0] =	sst s2  }
0x8f: {  	_ = 	snop  }
0x90: {  	s2 =	sld [smem:$0x3FD0];
	(tm) =	ssettm $0x1  }
0x91: {  	s18 =	sld [smem:$0x3FFB];
	_ =	sdelay $0x3  }
0x92: {  	_ =	strace s18  }
0x93: {  	s3 =	sld [smem:$0x3FFC];
	_ =	sdelay $0x3  }
0x94: {  	_ =	strace s3  }
0x95: {  	s3 =	sld [smem:$0x3FFD];
	_ =	sdelay $0x3  }
0x96: {  	_ =	strace s3  }
0x97: {  	_ =	strace $0x8FFFFFFF  }
0x98: {  	s19 =	sld [smem:$0x3FDB];
	_ =	sdelay $0x1  }
0x99: {  	s4 =	simm.s32 $_scs_section_size  }
0x9a: {  	s5 =	simm.s32 $_size__tile_overlayer_lowered;
	s6 =	simm.s32 $_tile_overlayer_lowered  }
0x9b: {  	s22 =	simm.s32 $0x1BFF;
	s21 =	sshll.u32 s6, $0x1;
	s3 =	sadd.s32 s4, s19  }
0x9c: {  	s7 =	simm.s32 $0x0;
	s20 =	sshll.u32 s5, $0x1;
	s5 =	sadd.s32 s21, s3  }
0x9d: {  	[timem:s7], [sflag:s22] =	dma.local [hbm:s5], s20  }
0x9e: {  	_ =	swait.ge [sflag:s22], s20  }
0x9f: {  	s4 =	ssub.s32 $0x0, s20;
	[sflag:s22] =	ssyncset.done $0x0  }
0xa0: {  	[sflag:s22] =	ssyncadd.s32 s4;
	_ =	sdelay $0x1  }
0xa1: {  	s23 =	simm.s32 $0x1B8B  }
0xa2: {  	_ =	swait.ge [sflag:s23], $0x1  }
0xa3: {  	[sflag:s23] =	ssyncset.done $0x0  }
0xa4: {  	s25 =	simm.s32 $0x1B8E;
	s24 =	sld [smem:$0x3FFE];
	[sflag:s23] =	ssyncadd.s32 $0xFFFFFFFF  }
0xa5: {  	s26 =	simm.s32 $execute0_lowered;
	[smem:$0x3FD2] =	sst s25  }
0xa6: {  	s5 =	sshll.u32 s26, $0x1;
	_ =	strace $0x8000004C;
	[dreg:$0x1] =	wrdreg $0xFFFFFFFF  }
0xa7: {  	s28 =	simm.s32 $_size_execute0_lowered;
	s3 =	sadd.s32 s3, s5;
	[dreg:$0x0] =	wrdreg $0x0  }
0xa8: {  	s5 =	sshll.u32 s28, $0x1;
	[dreg:$0x2] =	wrdreg s3  }
0xa9: {  	[dreg:$0x3] =	wrdreg s5  }
0xaa: {  	[dreg:$0x4] =	wrdreg $0xC0  }
0xab: {  	_ =	task [dreg:s7], $0x5FFFF  }
0xac: {  	[dreg:$0x1] =	wrdreg $0xFFFFFFFF  }
0xad: {  	[dreg:$0x0] =	wrdreg $0x60  }
0xae: {  	[dreg:$0x2] =	wrdreg s24  }
0xaf: {  	[dreg:$0x3] =	wrdreg s2  }
0xb0: {  	[dreg:$0x4] =	wrdreg $0x49000  }
0xb1: {  	[dreg:$0x5] =	wrdreg $0x9  }
0xb2: {  	_ =	task.clear_ibuf [dreg:s7], $0x6FFFF;
	_ =	strace $0x9000004C  }
0xb3: {  	s29 =	simm.s32 $0x9;
	_ =	strace $0x8000004E  }
0xb4: {  	_ =	swait.ge [sflag:s29], $0x1  }
0xb5: {  	[sflag:s29] =	ssyncadd.s32 $0xFFFFFFFF  }
0xb6: {  	_ =	strace $0x9000004E  }
0xb7: {  	_ =	sfence  }
0xb8: {  	s30 =	sld [smem:$0x0];
	_ =	sdelay $0x2  }
0xb9: {  	s31 =	sshll.u32 s1, $0xD;
	s1 =	sshrl.u32 s1, $0x2  }
0xba: {  	s3 =	sand.u32 $0x4000, s31;
	s1 =	sadd.s32 s1, s30  }
0xbb: {  	s0 =	sor.u32 s3, s0;
	s1 =	sshll.u32 s1, $0x11  }
0xbc: {  	s0 =	sor.u32 s1, s0  }
0xbd: {  	s0 =	sadd.s32 $0x8F2B, s0  }
0xbe: {  	[sflag:s0] =	ssyncadd.remote.s32 $0x1  }
0xbf: {  	_ =	sfence.sel $0xFFFF  }
0xc0: {  	[dreg:$0x0] =	wrdreg $0xFFFFFFFF;
	(pc) =	sbr.abs _section_cstart, $3  }
0xc1: {  	[dreg:$0x1] =	wrdreg $0xFFFFFFFF  }
0xc2: {  	_ =	task.clear_ibuf [dreg:s7], $0x2FFFF;
	_ =	strace $0x9FFFFFFF  }
0xc3: {  	(tm) =	ssettm $0x7FFFFFFF  }
tec
execute0_lowered:
.L_overlay_start_1:
0x0: {  	(tag) =	ssettag $0x1  }
0x1: {  	s5 =	rddreg [dreg:$0x0]  }
0x2: {  	s7 =	rddreg [dreg:$0x1]  }
0x3: {  	s0 =	srdreg.scid;
	s2 =	stileid.u32  }
0x4: {  	s1 =	rddreg [dreg:$0x2];
	s10 =	smul.u32 $0x2800, s2  }
0x5: {  	s3 =	simm.s32 $0x0;
	s14 =	simm.s32 $0x1;
	s11 =	smul.u32 $0x50000, s2  }
0x6: {  	s6 =	sand.u32 $0x1, s0;
	s0 =	rddreg [dreg:$0x3];
	s13 =	smul.u32 $0x4F0, s2  }
0x7: {  	s17 =	simm.s32 $0x0;
	[smem:$0x7FF] =	sst s3;
	s8 =	smul.u32 $0x4F00, s6  }
0x8: {  	s4 =	sadd.s32 $0x2200, s5;
	s15 =	sshll.u32 s2, $0x6;
	s9 =	smul.u32 $0x28000, s6  }
0x9: {  	_ =	strace $0x8000004D;
	s6 =	ssub.s32 $0x2, s6;
	s15 =	sor.u32 $0x1C02, s15  }
0xa: {  	s29 =	sshrl.u32 s6, $0x1;
	s11 =	sshrl.u32 s11, $0x2;
	s12 =	sadd.s32 s8, s5  }
0xb: {  	s9 =	sadd.s32 s10, s9;
	s10 =	ssub.s32 s6, s29;
	s31 =	sadd.s32 s8, s7  }
0xc: {  	s9 =	sadd.s32 s9, s5;
	s5 =	sadd.s32 s11, s1;
	s30 =	sadd.s32 s13, s12  }
0xd: {  	s7 =	smax.u32 s10, $0x1;
	s10 =	simm.s32 $0x4100;
	s11 =	simm.s32 $0x2  }
0xe: {  	s12 =	simm.s32 $0x80;
	s6 =	sadd.s32 $0x83200, s9;
	s8 =	sadd.s32 $0x29400, s30  }
0xf: {  	v0 =	vimm.f32 $0.0e+00;
	s9 =	sadd.s32 s13, s31;
	s13 =	simm.s32 $0x100;
	s16 =	sshrl.u32 s5, $0x3  }
.LBB2_1:
0x10: {  	s18 =	simm.s32 $0x0;
	s19 =	simm.s32 $0x200  }
.LBB2_2:
0x11: {  	p0 =	sne.s32 s19, $0x1E00;
	[tilespmem:s18+$0x4170] =	vst v0  }
0x12: {  	[tilespmem:s18+$0x4100] =	vst v0  }
0x13: {  	[tilespmem:s18+$0x4110] =	vst v0  }
.Ltmp0:
0x14: {  	[tilespmem:s18+$0x4120] =	vst v0;
	(pc) =	sbr.rel @p0 .LBB2_2-.Ltmp0, $4  }
0x15: {  	[tilespmem:s18+$0x4130] =	vst v0  }
0x16: {  	[tilespmem:s18+$0x4140] =	vst v0  }
0x17: {  	[tilespmem:s18+$0x4150] =	vst v0  }
0x18: {  	[tilespmem:s18+$0x4160] =	vst v0;
	s18 =	sshra.s32 s19, $0x2;
	s19 =	sadd.s32 $0x200, s19  }
0x19: {  	[tilespmem:s18+$0x4170] =	vst v0  }
0x1a: {  	[tilespmem:s18+$0x4100] =	vst v0  }
0x1b: {  	[tilespmem:s18+$0x4110] =	vst v0  }
0x1c: {  	[tilespmem:s18+$0x4120] =	vst v0  }
0x1d: {  	[tilespmem:s18+$0x4130] =	vst v0  }
0x1e: {  	[tilespmem:s18+$0x4140] =	vst v0  }
0x1f: {  	[tilespmem:s18+$0x4150] =	vst v0  }
0x20: {  	[tilespmem:s18+$0x4160] =	vst v0;
	s31 =	sadd.s32 $0x0, s5  }
0x21: {  	[spmem:s31] =	stream.linear.scatter [tilespmem:s10], [sflag:$0x2], $0x800, $0x38;
	[tilespmem:$0x18900] =	vst v63  }
0x22: {  	s18 =	simm.s32 $0x2000;
	_ =	swait.ge [sflag:s11], $0x800  }
.LBB2_4:
0x23: {  	s19 =	sshra.s32 s18, $0x2;
	[sflag:s11] =	ssyncset.done $0x0;
	p0 =	sne.s32 s18, $0x4E000  }
.Ltmp1:
0x24: {  	s19 =	sadd.s32 s19, s5;
	[sflag:s11] =	ssyncadd.s32 $0xFFFFF800;
	(pc) =	sbr.rel @p0 .LBB2_4-.Ltmp1, $3  }
0x25: {  	[spmem:s19] =	stream.linear.scatter [tilespmem:s10], [sflag:$0x2], $0x800, $0x38;
	[tilespmem:$0x18900] =	vst v63  }
0x26: {  	s18 =	sadd.s32 $0x2000, s18;
	_ =	sdelay $0x1  }
0x27: {  	_ =	swait.ge [sflag:s11], $0x800  }
0x28: {  	[sflag:s11] =	ssyncset.done $0x0  }
0x29: {  	[sflag:s11] =	ssyncadd.s32 $0xFFFFF800  }
0x2a: {  	s18 =	sadd.s32 $0x0, s9;
	[bflag:$0x0] =	sbarrier.arrive $0xFFFF  }
0x2b: {  	[tilespmem:s3], [sflag:$0x2] =	stream.linear.gather [hbm4b:s18+s3], $0x80, $0x38;
	[tilespmem:$0x18900] =	vst v63  }
0x2c: {  	_ =	swait.ge [sflag:s11], $0x80  }
0x2d: {  	[sflag:s11] =	ssyncset.done $0x0  }
0x2e: {  	s31 =	sadd.s32 $0x0, s8;
	[sflag:s11] =	ssyncadd.s32 $0xFFFFFF80  }
0x2f: {  	[tilespmem:s12], [sflag:$0x2] =	stream.linear.gather [hbm4b:s31+s3], $0x80, $0x38;
	[tilespmem:$0x18900] =	vst v63  }
0x30: {  	_ =	swait.ge [sflag:s11], $0x80  }
0x31: {  	[sflag:s11] =	ssyncset.done $0x0  }
0x32: {  	[sflag:s11] =	ssyncadd.s32 $0xFFFFFF80  }
0x33: {  	[tilespmem:s13], [sflag:$0x1] =	stream.indirect.gather [hbm4b:s4+s12], $0x80, s3, s12, $0xb8;
	[tilespmem:$0x18900] =	vst v63  }
0x34: {  	_ =	swait.ge [sflag:s14], $0x4000  }
0x35: {  	[sflag:s14] =	ssyncset.done $0x0  }
0x36: {  	[sflag:s14] =	ssyncadd.s32 $0xFFFFC000  }
0x37: {  	[spmem:s1] =	stream.indirect.scatter.add.f32 [tilespmem:s13], [sflag:$0x2], $0x80, s12, s12, $0xb8;
	[tilespmem:$0x18900] =	vst v63  }
0x38: {  	_ =	swait.ge [sflag:s11], $0x4000  }
0x39: {  	s19 =	simm.s32 $0x20;
	s18 =	simm.s32 $0x10;
	[sflag:s11] =	ssyncset.done $0x0  }
.LBB2_6:
0x3a: {  	s20 =	sadd.s32 s18, s9  }
0x3b: {  	[sflag:s11] =	ssyncadd.s32 $0xFFFFC000;
	s21 =	smov.u32 s19;
	s22 =	sadd.s32 $0x10, s19  }
0x3c: {  	[tilespmem:s3], [sflag:$0x2] =	stream.linear.gather [hbm4b:s20+s3], $0x80, $0x38;
	[tilespmem:$0x18900] =	vst v63  }
0x3d: {  	p0 =	sne.s32 s19, $0x4E0;
	_ =	swait.ge [sflag:s11], $0x80  }
0x3e: {  	[sflag:s11] =	ssyncset.done $0x0  }
0x3f: {  	s19 =	sadd.s32 s18, s8;
	s18 =	smov.u32 s21;
	[sflag:s11] =	ssyncadd.s32 $0xFFFFFF80  }
0x40: {  	[tilespmem:s12], [sflag:$0x2] =	stream.linear.gather [hbm4b:s19+s3], $0x80, $0x38;
	[tilespmem:$0x18900] =	vst v63  }
0x41: {  	_ =	swait.ge [sflag:s11], $0x80  }
0x42: {  	[sflag:s11] =	ssyncset.done $0x0  }
0x43: {  	[sflag:s11] =	ssyncadd.s32 $0xFFFFFF80  }
0x44: {  	[tilespmem:s13], [sflag:$0x1] =	stream.indirect.gather [hbm4b:s4+s12], $0x80, s3, s12, $0xb8;
	[tilespmem:$0x18900] =	vst v63  }
0x45: {  	_ =	swait.ge [sflag:s14], $0x4000  }
.Ltmp2:
0x46: {  	[sflag:s14] =	ssyncset.done $0x0;
	(pc) =	sbr.rel @p0 .LBB2_6-.Ltmp2, $4  }
0x47: {  	[sflag:s14] =	ssyncadd.s32 $0xFFFFC000  }
0x48: {  	[spmem:s1] =	stream.indirect.scatter.add.f32 [tilespmem:s13], [sflag:$0x2], $0x80, s12, s12, $0xb8;
	[tilespmem:$0x18900] =	vst v63  }
0x49: {  	_ =	swait.ge [sflag:s11], $0x4000  }
0x4a: {  	s19 =	smov.u32 s22;
	[sflag:s11] =	ssyncset.done $0x0  }
0x4b: {  	s19 =	sadd.s32 s18, s9;
	[sflag:s11] =	ssyncadd.s32 $0xFFFFC000  }
0x4c: {  	[tilespmem:s3], [sflag:$0x2] =	stream.linear.gather [hbm4b:s19+s3], $0x80, $0x38;
	[tilespmem:$0x18900] =	vst v63  }
0x4d: {  	_ =	swait.ge [sflag:s11], $0x80  }
0x4e: {  	[sflag:s11] =	ssyncset.done $0x0  }
0x4f: {  	s31 =	sadd.s32 s18, s8;
	[sflag:s11] =	ssyncadd.s32 $0xFFFFFF80  }
0x50: {  	[tilespmem:s12], [sflag:$0x2] =	stream.linear.gather [hbm4b:s31+s3], $0x80, $0x38;
	[tilespmem:$0x18900] =	vst v63  }
0x51: {  	_ =	swait.ge [sflag:s11], $0x80  }
0x52: {  	[sflag:s11] =	ssyncset.done $0x0  }
0x53: {  	[sflag:s11] =	ssyncadd.s32 $0xFFFFFF80  }
0x54: {  	[tilespmem:s13], [sflag:$0x1] =	stream.indirect.gather [hbm4b:s4+s12], $0x80, s3, s12, $0xb8;
	[tilespmem:$0x18900] =	vst v63  }
0x55: {  	_ =	swait.ge [sflag:s14], $0x4000  }
0x56: {  	[sflag:s14] =	ssyncset.done $0x0  }
0x57: {  	[sflag:s14] =	ssyncadd.s32 $0xFFFFC000  }
0x58: {  	[spmem:s1] =	stream.indirect.scatter.add.f32 [tilespmem:s13], [sflag:$0x2], $0x80, s12, s12, $0xb8;
	[tilespmem:$0x18900] =	vst v63  }
0x59: {  	_ =	swait.ge [sflag:s11], $0x4000  }
0x5a: {  	s17 =	sadd.s32 $0x1, s17;
	[sflag:s11] =	ssyncset.done $0x0  }
0x5b: {  	p0 =	sne.s32 s17, s7;
	[sflag:s11] =	ssyncadd.s32 $0xFFFFC000  }
.Ltmp3:
0x5c: {  	[bflag:$0x0] =	sbarrier.arrive $0xFFFF;
	(pc) =	sbr.rel @p0 .LBB2_1-.Ltmp3, $4  }
0x5d: {  	[hbm:s6], [sflag:s15] =	dma.local [spmem:s16], $0x2800  }
0x5e: {  	_ =	swait.ge [sflag:s11], $0x2800  }
0x5f: {  	[sflag:s11] =	ssyncset.done $0x0  }
0x60: {  	[sflag:s11] =	ssyncadd.s32 $0xFFFFD800  }
0x61: {  	_ =	sfence.sel $0x180000  }
0x62: {  	[bflag:$0x0] =	sbarrier.arrive $0xFFFF  }
0x63: {  	p0 =	sne.s32 s2, $0x0;
	_ =	strace $0x9000004D  }
0x64: {  	s0 =	sadd.s32 @!p0 $0x100000, s0;
	[bflag:$0x2] =	sbarrier.arrive $0xFFFF  }
0x65: {  	[sflag:s0] =	ssyncadd.tile.s32 @!p0 $0x1;
	_ =	shalt  }
.Lfunc_end2:
_tile_overlayer_lowered:
.L_overlay_start_2:
0x66: {  	(tag) =	ssettag $0x2  }
0x67: {  	s0 =	rddreg [dreg:$0x0];
	s2 =	stileid.u32  }
0x68: {  	s1 =	rddreg [dreg:$0x1];
	p0 =	sne.s32 s2, $0x0  }
0x69: {  	s3 =	rddreg [dreg:$0x2];
	[bflag:$0x3] =	sbarrier.arrive $0xFFFF;
	s2 =	simm.s32 @!p0 $0x1C02  }
0x6a: {  	[timem:s3], [sflag:s2] =	dma.local @!p0 [hbm:s0], s1  }
0x6b: {  	s0 =	simm.s32 @!p0 $0x2  }
0x6c: {  	_ =	swait.ge @!p0 [sflag:s0], s1  }
0x6d: {  	s1 =	ssub.s32 @!p0 $0x0, s1;
	[sflag:s0] =	ssyncset.done @!p0 $0x0  }
0x6e: {  	[sflag:s0] =	ssyncadd.s32 @!p0 s1  }
0x6f: {  	[bflag:$0x3] =	sbarrier.arrive $0xFFFF  }
0x70: {  	_ =	shalt  }

// kernel: kernel.7.cloned.1.call-start
scs
__scs_entry_jumppad:
0x0: {  	(pc) =	sbr.rel $0x88, $3  }
0x1: {  	(tag) =	ssettag $0x0;
	lr =	simm.s32 $0x1  }
0x2: {  	[smem:$0x3F99] =	sst lr;
	_ =	strace $0xD0000000  }
0x3: {  	_ = 	snop  }
0x4: {  	_ = 	snop  }
0x5: {  	_ = 	snop  }
0x6: {  	_ = 	snop  }
0x7: {  	_ = 	snop  }
__scs_overlays_trampoline_lowered:
0x8: {  	[smem:$0x3FA8] =	sst s0  }
0x9: {  	[smem:$0x3FA9] =	sst s1  }
0xa: {  	[smem:$0x3FAA] =	sst s2  }
0xb: {  	[smem:$0x3FAB] =	sst s3  }
0xc: {  	[smem:$0x3FAC] =	sst s4  }
0xd: {  	[smem:$0x3FAD] =	sst s5  }
0xe: {  	[smem:$0x3FAE] =	sst s6  }
0xf: {  	[smem:$0x3FAF] =	sst s7  }
0x10: {  	[smem:$0x3FB0] =	sst s8  }
0x11: {  	[smem:$0x3FB1] =	sst s9;
	s0 =	simm.s32 @!p0 $0x0  }
0x12: {  	s1 =	sld [smem:$0x3F97];
	s0 =	simm.s32 @p0 $0x1  }
0x13: {  	[smem:$0x3FB2] =	sst s0;
	s0 =	simm.s32 @!p1 $0x0  }
0x14: {  	s2 =	sld [smem:$0x3F96];
	s0 =	simm.s32 @p1 $0x1  }
0x15: {  	[smem:$0x3FB3] =	sst s0;
	s0 =	simm.s32 @!p2 $0x0  }
0x16: {  	s3 =	sld [smem:$0x3FDB];
	s0 =	simm.s32 @p2 $0x1  }
0x17: {  	s4 =	simm.s32 $0x1BF5;
	[smem:$0x3FB5] =	sst s0  }
0x18: {  	s0 =	sld [smem:$0x3F98];
	_ =	swait.ge [sflag:s4], $0x0  }
0x19: {  	s7 =	sld [smem:$0x3F99]  }
0x1a: {  	s8 =	sadd.s32 $0xFFFFE003, lr  }
0x1b: {  	s9 =	sadd.s32 $0xFFFFFEF7, lr;
	s5 =	simm.s32 $0xFFFFFFFF;
	p2 =	slt.u32 s8, $0xFFFFF086  }
0x1c: {  	p1 =	slt.u32 s9, $0xF7A;
	s5 =	simm.s32 @!p2 $0x0  }
0x1d: {  	s5 =	simm.s32 @p1 $0x1;
	p0 =	seq.s32 s7, s2  }
0x1e: {  	s7 =	smul.u32 @!p0 $0xF7A, s2;
	p2 =	seq.s32 @!p0 s5, $0x0  }
0x1f: {  	s9 =	smul.u32 $0xF7A, s1;
	s8 =	simm.s32 @!p0 $0x1BF5;
	p2 =	por !p2, p0  }
0x20: {  	[sflag:s8] =	ssyncset.s32 @!p0 $0xFFFFF086;
	s6 =	sadd.s32 @!p0 s3, s7;
	s7 =	simm.s32 @!p0 $0x108  }
0x21: {  	s3 =	sadd.s32 s3, s9;
	s6 =	sadd.s32 @!p0 $0x88, s6;
	s7 =	simm.s32 @p2 $0x1082  }
0x22: {  	[simem:s7], [sflag:s8] =	dma.local @!p0 [hbm:s6], $0xF7A  }
0x23: {  	s9 =	sor.u32 $0xD0000000, s2;
	s6 =	simm.s32 $0x108;
	_ =	swait.ge @!p0 [sflag:s8], $0x0  }
0x24: {  	s3 =	sadd.s32 $0x88, s3;
	s6 =	simm.s32 @!p1 $0x1082;
	[sflag:s4] =	ssyncset.s32 $0xFFFFF086  }
0x25: {  	[simem:s6], [sflag:s4] =	dma.local [hbm:s3], $0xF7A  }
0x26: {  	[smem:$0x3F99] =	sst s1;
	(tag) =	ssettag s2;
	_ =	strace s9  }
0x27: {  	s1 =	sld [smem:$0x3FA9]  }
0x28: {  	s2 =	sld [smem:$0x3FAA]  }
0x29: {  	s4 =	sld [smem:$0x3FAC]  }
0x2a: {  	p0 =	seq.s32 s5, $0x0;
	s5 =	sld [smem:$0x3FAD]  }
0x2b: {  	s6 =	sld [smem:$0x3FAE]  }
0x2c: {  	s7 =	sld [smem:$0x3FAF]  }
0x2d: {  	s3 =	simm.s32 $0x108;
	s8 =	sld [smem:$0x3FB0]  }
0x2e: {  	s3 =	simm.s32 @!p0 $0x1082;
	s9 =	sld [smem:$0x3FB1]  }
0x2f: {  	lr =	sadd.s32 s0, s3;
	s0 =	sld [smem:$0x3FA8]  }
0x30: {  	s3 =	sld [smem:$0x3FAB]  }
0x31: {  	[smem:$0x3FB4] =	sst s10  }
0x32: {  	s10 =	sld [smem:$0x3FB2];
	_ =	sdelay $0x3  }
0x33: {  	p0 =	seq.s32 s10, $0x1;
	s10 =	sld [smem:$0x3FB4];
	_ =	sdelay $0x3  }
0x34: {  	[smem:$0x3FB4] =	sst s10  }
0x35: {  	s10 =	sld [smem:$0x3FB3];
	_ =	sdelay $0x3  }
0x36: {  	p1 =	seq.s32 s10, $0x1;
	s10 =	sld [smem:$0x3FB4];
	_ =	sdelay $0x3  }
0x37: {  	[smem:$0x3FB4] =	sst s10  }
0x38: {  	s10 =	sld [smem:$0x3FB5]  }
0x39: {  	_ = 	snop;
	(pc) =	sbr.ind lr, $3  }
0x3a: {  	_ = 	snop  }
0x3b: {  	_ = 	snop  }
0x3c: {  	p2 =	seq.s32 s10, $0x1;
	s10 =	sld [smem:$0x3FB4]  }
0x3d: {  	_ =	shalt  }
0x3e: {  	_ =	shalt  }
0x3f: {  	_ =	shalt  }
0x40: {  	_ =	shalt  }
0x41: {  	_ =	shalt  }
0x42: {  	_ =	shalt  }
0x43: {  	_ =	shalt  }
0x44: {  	_ =	shalt  }
0x45: {  	_ =	shalt  }
0x46: {  	_ =	shalt  }
0x47: {  	_ =	shalt  }
0x48: {  	_ =	shalt  }
0x49: {  	_ =	shalt  }
0x4a: {  	_ =	shalt  }
0x4b: {  	_ =	shalt  }
0x4c: {  	_ =	shalt  }
0x4d: {  	_ =	shalt  }
0x4e: {  	_ =	shalt  }
0x4f: {  	_ =	shalt  }
0x50: {  	_ =	shalt  }
0x51: {  	_ =	shalt  }
0x52: {  	_ =	shalt  }
0x53: {  	_ =	shalt  }
0x54: {  	_ =	shalt  }
0x55: {  	_ =	shalt  }
0x56: {  	_ =	shalt  }
0x57: {  	_ =	shalt  }
0x58: {  	_ =	shalt  }
0x59: {  	_ =	shalt  }
0x5a: {  	_ =	shalt  }
0x5b: {  	_ =	shalt  }
0x5c: {  	_ =	shalt  }
0x5d: {  	_ =	shalt  }
0x5e: {  	_ =	shalt  }
0x5f: {  	_ =	shalt  }
0x60: {  	_ =	shalt  }
0x61: {  	_ =	shalt  }
0x62: {  	_ =	shalt  }
0x63: {  	_ =	shalt  }
0x64: {  	_ =	shalt  }
0x65: {  	_ =	shalt  }
0x66: {  	_ =	shalt  }
0x67: {  	_ =	shalt  }
0x68: {  	_ =	shalt  }
0x69: {  	_ =	shalt  }
0x6a: {  	_ =	shalt  }
0x6b: {  	_ =	shalt  }
0x6c: {  	_ =	shalt  }
0x6d: {  	_ =	shalt  }
0x6e: {  	_ =	shalt  }
0x6f: {  	_ =	shalt  }
0x70: {  	_ =	shalt  }
0x71: {  	_ =	shalt  }
0x72: {  	_ =	shalt  }
0x73: {  	_ =	shalt  }
0x74: {  	_ =	shalt  }
0x75: {  	_ =	shalt  }
0x76: {  	_ =	shalt  }
0x77: {  	_ =	shalt  }
0x78: {  	_ =	shalt  }
0x79: {  	_ =	shalt  }
0x7a: {  	_ =	shalt  }
0x7b: {  	_ =	shalt  }
0x7c: {  	_ =	shalt  }
0x7d: {  	_ =	shalt  }
0x7e: {  	_ =	shalt  }
0x7f: {  	_ =	shalt  }
0x80: {  	_ =	shalt  }
0x81: {  	_ =	shalt  }
0x82: {  	_ =	shalt  }
0x83: {  	_ =	shalt  }
0x84: {  	_ =	shalt  }
0x85: {  	_ =	shalt  }
0x86: {  	_ =	shalt  }
0x87: {  	_ =	shalt  }
.Lfunc_end0:
.L_simem_size_0:
called_computation_lowered:
.L_overlay_start_0:
0x88: {  	s2 =	sld [smem:$0x3FD9]  }
0x89: {  	s3 =	sld [smem:$0x3FFE];
	_ =	sdelay $0x1  }
0x8a: {  	s1 =	srdreg.scid  }
0x8b: {  	s0 =	sand.u32 $0x1, s1  }
0x8c: {  	s17 =	sshll.u32 s0, $0xA;
	s2 =	sadd.s32 s3, s2  }
0x8d: {  	s2 =	sadd.s32 s2, s17  }
0x8e: {  	[smem:$0x3FC0] =	sst s2  }
0x8f: {  	_ = 	snop  }
0x90: {  	s2 =	sld [smem:$0x3FD0];
	(tm) =	ssettm $0x1  }
0x91: {  	s18 =	sld [smem:$0x3FFB];
	_ =	sdelay $0x3  }
0x92: {  	_ =	strace s18  }
0x93: {  	s3 =	sld [smem:$0x3FFC];
	_ =	sdelay $0x3  }
0x94: {  	_ =	strace s3  }
0x95: {  	s3 =	sld [smem:$0x3FFD];
	_ =	sdelay $0x3  }
0x96: {  	_ =	strace s3  }
0x97: {  	_ =	strace $0x8FFFFFFF  }
0x98: {  	s19 =	sld [smem:$0x3FDB];
	_ =	sdelay $0x1  }
0x99: {  	s4 =	simm.s32 $_scs_section_size  }
0x9a: {  	s5 =	simm.s32 $_size__tile_overlayer_lowered;
	s6 =	simm.s32 $_tile_overlayer_lowered  }
0x9b: {  	s22 =	simm.s32 $0x1BFF;
	s21 =	sshll.u32 s6, $0x1;
	s3 =	sadd.s32 s4, s19  }
0x9c: {  	s7 =	simm.s32 $0x0;
	s20 =	sshll.u32 s5, $0x1;
	s5 =	sadd.s32 s21, s3  }
0x9d: {  	[timem:s7], [sflag:s22] =	dma.local [hbm:s5], s20  }
0x9e: {  	_ =	swait.ge [sflag:s22], s20  }
0x9f: {  	s4 =	ssub.s32 $0x0, s20;
	[sflag:s22] =	ssyncset.done $0x0  }
0xa0: {  	[sflag:s22] =	ssyncadd.s32 s4;
	_ =	sdelay $0x1  }
0xa1: {  	s23 =	simm.s32 $0x1B8B  }
0xa2: {  	_ =	swait.ge [sflag:s23], $0x1  }
0xa3: {  	[sflag:s23] =	ssyncset.done $0x0  }
0xa4: {  	s25 =	simm.s32 $0x1B8E;
	s24 =	sld [smem:$0x3FFE];
	[sflag:s23] =	ssyncadd.s32 $0xFFFFFFFF  }
0xa5: {  	s26 =	simm.s32 $execute0_lowered;
	[smem:$0x3FD2] =	sst s25  }
0xa6: {  	s5 =	sshll.u32 s26, $0x1;
	_ =	strace $0x80000046;
	[dreg:$0x1] =	wrdreg $0xFFFFFFFF  }
0xa7: {  	s28 =	simm.s32 $_size_execute0_lowered;
	s3 =	sadd.s32 s3, s5;
	[dreg:$0x0] =	wrdreg $0x0  }
0xa8: {  	s5 =	sshll.u32 s28, $0x1;
	[dreg:$0x2] =	wrdreg s3  }
0xa9: {  	[dreg:$0x3] =	wrdreg s5  }
0xaa: {  	[dreg:$0x4] =	wrdreg $0xC0  }
0xab: {  	_ =	task [dreg:s7], $0x5FFFF  }
0xac: {  	[dreg:$0x1] =	wrdreg $0xFFFFFFFF  }
0xad: {  	[dreg:$0x0] =	wrdreg $0x60  }
0xae: {  	[dreg:$0x2] =	wrdreg s24  }
0xaf: {  	[dreg:$0x3] =	wrdreg s2  }
0xb0: {  	[dreg:$0x4] =	wrdreg $0x49000  }
0xb1: {  	[dreg:$0x5] =	wrdreg $0x9  }
0xb2: {  	_ =	task.clear_ibuf [dreg:s7], $0x6FFFF;
	_ =	strace $0x90000046  }
0xb3: {  	s29 =	simm.s32 $0x9;
	_ =	strace $0x80000048  }
0xb4: {  	_ =	swait.ge [sflag:s29], $0x1  }
0xb5: {  	[sflag:s29] =	ssyncadd.s32 $0xFFFFFFFF  }
0xb6: {  	_ =	strace $0x90000048  }
0xb7: {  	_ =	sfence  }
0xb8: {  	s30 =	sld [smem:$0x0];
	_ =	sdelay $0x2  }
0xb9: {  	s31 =	sshll.u32 s1, $0xD;
	s1 =	sshrl.u32 s1, $0x2  }
0xba: {  	s3 =	sand.u32 $0x4000, s31;
	s1 =	sadd.s32 s1, s30  }
0xbb: {  	s0 =	sor.u32 s3, s0;
	s1 =	sshll.u32 s1, $0x11  }
0xbc: {  	s0 =	sor.u32 s1, s0  }
0xbd: {  	s0 =	sadd.s32 $0x8F2B, s0  }
0xbe: {  	[sflag:s0] =	ssyncadd.remote.s32 $0x1  }
0xbf: {  	_ =	sfence.sel $0xFFFF  }
0xc0: {  	[dreg:$0x0] =	wrdreg $0xFFFFFFFF;
	(pc) =	sbr.abs _section_cstart, $3  }
0xc1: {  	[dreg:$0x1] =	wrdreg $0xFFFFFFFF  }
0xc2: {  	_ =	task.clear_ibuf [dreg:s7], $0x2FFFF;
	_ =	strace $0x9FFFFFFF  }
0xc3: {  	(tm) =	ssettm $0x7FFFFFFF  }
tec
execute0_lowered:
.L_overlay_start_1:
0x0: {  	(tag) =	ssettag $0x1  }
0x1: {  	s5 =	rddreg [dreg:$0x0]  }
0x2: {  	s7 =	rddreg [dreg:$0x1]  }
0x3: {  	s0 =	srdreg.scid;
	s2 =	stileid.u32  }
0x4: {  	s1 =	rddreg [dreg:$0x2];
	s10 =	smul.u32 $0x2800, s2  }
0x5: {  	s3 =	simm.s32 $0x0;
	s14 =	simm.s32 $0x1;
	s11 =	smul.u32 $0x50000, s2  }
0x6: {  	s6 =	sand.u32 $0x1, s0;
	s0 =	rddreg [dreg:$0x3];
	s13 =	smul.u32 $0x4F0, s2  }
0x7: {  	s17 =	simm.s32 $0x0;
	[smem:$0x7FF] =	sst s3;
	s8 =	smul.u32 $0x4F00, s6  }
0x8: {  	s4 =	sadd.s32 $0x2200, s5;
	s15 =	sshll.u32 s2, $0x6;
	s9 =	smul.u32 $0x28000, s6  }
0x9: {  	_ =	strace $0x80000047;
	s6 =	ssub.s32 $0x2, s6;
	s15 =	sor.u32 $0x1C02, s15  }
0xa: {  	s29 =	sshrl.u32 s6, $0x1;
	s11 =	sshrl.u32 s11, $0x2;
	s12 =	sadd.s32 s8, s5  }
0xb: {  	s9 =	sadd.s32 s10, s9;
	s10 =	ssub.s32 s6, s29;
	s31 =	sadd.s32 s8, s7  }
0xc: {  	s9 =	sadd.s32 s9, s5;
	s5 =	sadd.s32 s11, s1;
	s30 =	sadd.s32 s13, s12  }
0xd: {  	s7 =	smax.u32 s10, $0x1;
	s10 =	simm.s32 $0x4100;
	s11 =	simm.s32 $0x2  }
0xe: {  	s12 =	simm.s32 $0x80;
	s6 =	sadd.s32 $0x33200, s9;
	s8 =	sadd.s32 $0x29400, s30  }
0xf: {  	v0 =	vimm.f32 $0.0e+00;
	s9 =	sadd.s32 s13, s31;
	s13 =	simm.s32 $0x100;
	s16 =	sshrl.u32 s5, $0x3  }
.LBB2_1:
0x10: {  	s18 =	simm.s32 $0x0;
	s19 =	simm.s32 $0x200  }
.LBB2_2:
0x11: {  	p0 =	sne.s32 s19, $0x1E00;
	[tilespmem:s18+$0x4170] =	vst v0  }
0x12: {  	[tilespmem:s18+$0x4100] =	vst v0  }
0x13: {  	[tilespmem:s18+$0x4110] =	vst v0  }
.Ltmp0:
0x14: {  	[tilespmem:s18+$0x4120] =	vst v0;
	(pc) =	sbr.rel @p0 .LBB2_2-.Ltmp0, $4  }
0x15: {  	[tilespmem:s18+$0x4130] =	vst v0  }
0x16: {  	[tilespmem:s18+$0x4140] =	vst v0  }
0x17: {  	[tilespmem:s18+$0x4150] =	vst v0  }
0x18: {  	[tilespmem:s18+$0x4160] =	vst v0;
	s18 =	sshra.s32 s19, $0x2;
	s19 =	sadd.s32 $0x200, s19  }
0x19: {  	[tilespmem:s18+$0x4170] =	vst v0  }
0x1a: {  	[tilespmem:s18+$0x4100] =	vst v0  }
0x1b: {  	[tilespmem:s18+$0x4110] =	vst v0  }
0x1c: {  	[tilespmem:s18+$0x4120] =	vst v0  }
0x1d: {  	[tilespmem:s18+$0x4130] =	vst v0  }
0x1e: {  	[tilespmem:s18+$0x4140] =	vst v0  }
0x1f: {  	[tilespmem:s18+$0x4150] =	vst v0  }
0x20: {  	[tilespmem:s18+$0x4160] =	vst v0;
	s31 =	sadd.s32 $0x0, s5  }
0x21: {  	[spmem:s31] =	stream.linear.scatter [tilespmem:s10], [sflag:$0x2], $0x800, $0x38;
	[tilespmem:$0x18900] =	vst v63  }
0x22: {  	s18 =	simm.s32 $0x2000;
	_ =	swait.ge [sflag:s11], $0x800  }
.LBB2_4:
0x23: {  	s19 =	sshra.s32 s18, $0x2;
	[sflag:s11] =	ssyncset.done $0x0;
	p0 =	sne.s32 s18, $0x4E000  }
.Ltmp1:
0x24: {  	s19 =	sadd.s32 s19, s5;
	[sflag:s11] =	ssyncadd.s32 $0xFFFFF800;
	(pc) =	sbr.rel @p0 .LBB2_4-.Ltmp1, $3  }
0x25: {  	[spmem:s19] =	stream.linear.scatter [tilespmem:s10], [sflag:$0x2], $0x800, $0x38;
	[tilespmem:$0x18900] =	vst v63  }
0x26: {  	s18 =	sadd.s32 $0x2000, s18;
	_ =	sdelay $0x1  }
0x27: {  	_ =	swait.ge [sflag:s11], $0x800  }
0x28: {  	[sflag:s11] =	ssyncset.done $0x0  }
0x29: {  	[sflag:s11] =	ssyncadd.s32 $0xFFFFF800  }
0x2a: {  	s18 =	sadd.s32 $0x0, s9;
	[bflag:$0x0] =	sbarrier.arrive $0xFFFF  }
0x2b: {  	[tilespmem:s3], [sflag:$0x2] =	stream.linear.gather [hbm4b:s18+s3], $0x80, $0x38;
	[tilespmem:$0x18900] =	vst v63  }
0x2c: {  	_ =	swait.ge [sflag:s11], $0x80  }
0x2d: {  	[sflag:s11] =	ssyncset.done $0x0  }
0x2e: {  	s31 =	sadd.s32 $0x0, s8;
	[sflag:s11] =	ssyncadd.s32 $0xFFFFFF80  }
0x2f: {  	[tilespmem:s12], [sflag:$0x2] =	stream.linear.gather [hbm4b:s31+s3], $0x80, $0x38;
	[tilespmem:$0x18900] =	vst v63  }
0x30: {  	_ =	swait.ge [sflag:s11], $0x80  }
0x31: {  	[sflag:s11] =	ssyncset.done $0x0  }
0x32: {  	[sflag:s11] =	ssyncadd.s32 $0xFFFFFF80  }
0x33: {  	[tilespmem:s13], [sflag:$0x1] =	stream.indirect.gather [hbm4b:s4+s12], $0x80, s3, s12, $0xb8;
	[tilespmem:$0x18900] =	vst v63  }
0x34: {  	_ =	swait.ge [sflag:s14], $0x4000  }
0x35: {  	[sflag:s14] =	ssyncset.done $0x0  }
0x36: {  	[sflag:s14] =	ssyncadd.s32 $0xFFFFC000  }
0x37: {  	[spmem:s1] =	stream.indirect.scatter.add.f32 [tilespmem:s13], [sflag:$0x2], $0x80, s12, s12, $0xb8;
	[tilespmem:$0x18900] =	vst v63  }
0x38: {  	_ =	swait.ge [sflag:s11], $0x4000  }
0x39: {  	s19 =	simm.s32 $0x20;
	s18 =	simm.s32 $0x10;
	[sflag:s11] =	ssyncset.done $0x0  }
.LBB2_6:
0x3a: {  	s20 =	sadd.s32 s18, s9  }
0x3b: {  	[sflag:s11] =	ssyncadd.s32 $0xFFFFC000;
	s21 =	smov.u32 s19;
	s22 =	sadd.s32 $0x10, s19  }
0x3c: {  	[tilespmem:s3], [sflag:$0x2] =	stream.linear.gather [hbm4b:s20+s3], $0x80, $0x38;
	[tilespmem:$0x18900] =	vst v63  }
0x3d: {  	p0 =	sne.s32 s19, $0x4E0;
	_ =	swait.ge [sflag:s11], $0x80  }
0x3e: {  	[sflag:s11] =	ssyncset.done $0x0  }
0x3f: {  	s19 =	sadd.s32 s18, s8;
	s18 =	smov.u32 s21;
	[sflag:s11] =	ssyncadd.s32 $0xFFFFFF80  }
0x40: {  	[tilespmem:s12], [sflag:$0x2] =	stream.linear.gather [hbm4b:s19+s3], $0x80, $0x38;
	[tilespmem:$0x18900] =	vst v63  }
0x41: {  	_ =	swait.ge [sflag:s11], $0x80  }
0x42: {  	[sflag:s11] =	ssyncset.done $0x0  }
0x43: {  	[sflag:s11] =	ssyncadd.s32 $0xFFFFFF80  }
0x44: {  	[tilespmem:s13], [sflag:$0x1] =	stream.indirect.gather [hbm4b:s4+s12], $0x80, s3, s12, $0xb8;
	[tilespmem:$0x18900] =	vst v63  }
0x45: {  	_ =	swait.ge [sflag:s14], $0x4000  }
.Ltmp2:
0x46: {  	[sflag:s14] =	ssyncset.done $0x0;
	(pc) =	sbr.rel @p0 .LBB2_6-.Ltmp2, $4  }
0x47: {  	[sflag:s14] =	ssyncadd.s32 $0xFFFFC000  }
0x48: {  	[spmem:s1] =	stream.indirect.scatter.add.f32 [tilespmem:s13], [sflag:$0x2], $0x80, s12, s12, $0xb8;
	[tilespmem:$0x18900] =	vst v63  }
0x49: {  	_ =	swait.ge [sflag:s11], $0x4000  }
0x4a: {  	s19 =	smov.u32 s22;
	[sflag:s11] =	ssyncset.done $0x0  }
0x4b: {  	s19 =	sadd.s32 s18, s9;
	[sflag:s11] =	ssyncadd.s32 $0xFFFFC000  }
0x4c: {  	[tilespmem:s3], [sflag:$0x2] =	stream.linear.gather [hbm4b:s19+s3], $0x80, $0x38;
	[tilespmem:$0x18900] =	vst v63  }
0x4d: {  	_ =	swait.ge [sflag:s11], $0x80  }
0x4e: {  	[sflag:s11] =	ssyncset.done $0x0  }
0x4f: {  	s31 =	sadd.s32 s18, s8;
	[sflag:s11] =	ssyncadd.s32 $0xFFFFFF80  }
0x50: {  	[tilespmem:s12], [sflag:$0x2] =	stream.linear.gather [hbm4b:s31+s3], $0x80, $0x38;
	[tilespmem:$0x18900] =	vst v63  }
0x51: {  	_ =	swait.ge [sflag:s11], $0x80  }
0x52: {  	[sflag:s11] =	ssyncset.done $0x0  }
0x53: {  	[sflag:s11] =	ssyncadd.s32 $0xFFFFFF80  }
0x54: {  	[tilespmem:s13], [sflag:$0x1] =	stream.indirect.gather [hbm4b:s4+s12], $0x80, s3, s12, $0xb8;
	[tilespmem:$0x18900] =	vst v63  }
0x55: {  	_ =	swait.ge [sflag:s14], $0x4000  }
0x56: {  	[sflag:s14] =	ssyncset.done $0x0  }
0x57: {  	[sflag:s14] =	ssyncadd.s32 $0xFFFFC000  }
0x58: {  	[spmem:s1] =	stream.indirect.scatter.add.f32 [tilespmem:s13], [sflag:$0x2], $0x80, s12, s12, $0xb8;
	[tilespmem:$0x18900] =	vst v63  }
0x59: {  	_ =	swait.ge [sflag:s11], $0x4000  }
0x5a: {  	s17 =	sadd.s32 $0x1, s17;
	[sflag:s11] =	ssyncset.done $0x0  }
0x5b: {  	p0 =	sne.s32 s17, s7;
	[sflag:s11] =	ssyncadd.s32 $0xFFFFC000  }
.Ltmp3:
0x5c: {  	[bflag:$0x0] =	sbarrier.arrive $0xFFFF;
	(pc) =	sbr.rel @p0 .LBB2_1-.Ltmp3, $4  }
0x5d: {  	[hbm:s6], [sflag:s15] =	dma.local [spmem:s16], $0x2800  }
0x5e: {  	_ =	swait.ge [sflag:s11], $0x2800  }
0x5f: {  	[sflag:s11] =	ssyncset.done $0x0  }
0x60: {  	[sflag:s11] =	ssyncadd.s32 $0xFFFFD800  }
0x61: {  	_ =	sfence.sel $0x180000  }
0x62: {  	[bflag:$0x0] =	sbarrier.arrive $0xFFFF  }
0x63: {  	p0 =	sne.s32 s2, $0x0;
	_ =	strace $0x90000047  }
0x64: {  	s0 =	sadd.s32 @!p0 $0x100000, s0;
	[bflag:$0x2] =	sbarrier.arrive $0xFFFF  }
0x65: {  	[sflag:s0] =	ssyncadd.tile.s32 @!p0 $0x1;
	_ =	shalt  }
.Lfunc_end2:
_tile_overlayer_lowered:
.L_overlay_start_2:
0x66: {  	(tag) =	ssettag $0x2  }
0x67: {  	s0 =	rddreg [dreg:$0x0];
	s2 =	stileid.u32  }
0x68: {  	s1 =	rddreg [dreg:$0x1];
	p0 =	sne.s32 s2, $0x0  }
0x69: {  	s3 =	rddreg [dreg:$0x2];
	[bflag:$0x3] =	sbarrier.arrive $0xFFFF;
	s2 =	simm.s32 @!p0 $0x1C02  }
0x6a: {  	[timem:s3], [sflag:s2] =	dma.local @!p0 [hbm:s0], s1  }
0x6b: {  	s0 =	simm.s32 @!p0 $0x2  }
0x6c: {  	_ =	swait.ge @!p0 [sflag:s0], s1  }
0x6d: {  	s1 =	ssub.s32 @!p0 $0x0, s1;
	[sflag:s0] =	ssyncset.done @!p0 $0x0  }
0x6e: {  	[sflag:s0] =	ssyncadd.s32 @!p0 s1  }
0x6f: {  	[bflag:$0x3] =	sbarrier.arrive $0xFFFF  }
0x70: {  	_ =	shalt  }

</sc_bundles>
